<compile_context>
chip_gen: v7x
topology: tpu7x:2x2x1
jax: 0.10.2.dev20260603
libtpu: 0.0.44.dev20260713+nightly
codegen_flags: <defaults>
</compile_context>

<pallas_src>
import functools

import jax
import jax.numpy as jnp
from jax import lax
from jax.experimental import pallas as pl
from jax.experimental.pallas import tpu as pltpu
from jax.experimental.pallas import tpu_sc as plsc

NC = 2
NS = 16
LW = 128
CE = 128
NRND = 2
ZPAD = 8


def _segment_sum_sc(n_slices, n_nodes, nch):
  n_passes = n_slices // NC
  n_acc = -(-(n_nodes + 1) // LW) * LW
  rpt = n_acc // NS
  nr = nch // NRND
  mesh = plsc.VectorSubcoreMesh(
      core_axis_name="c", subcore_axis_name="s", num_cores=NC)

  @functools.partial(
      pl.kernel,
      out_type=jax.ShapeDtypeStruct((n_slices, n_acc, LW), jnp.float32),
      mesh=mesh,
      scratch_types=[
          pltpu.VMEM((nr, CE), jnp.int32),
          pltpu.VMEM((nr, CE), jnp.int32),
          pltpu.VMEM((CE, LW), jnp.float32),
          pltpu.VMEM((CE, LW), jnp.float32),
          pltpu.VMEM_SHARED((n_acc, LW), jnp.float32),
          pltpu.SemaphoreType.DMA,
          pltpu.SemaphoreType.DMA,
          pltpu.SemaphoreType.DMA,
          pltpu.SemaphoreType.DMA,
      ],
  )
  def k(table, gidx, dst3, zrows, out, dst_v, gidx_v, rows_a, rows_b, acc,
        sema, semb, sesa, sesb):
    c = lax.axis_index("c")
    s = lax.axis_index("s")
    for t in range(n_passes):
      sl = c * n_passes + t
      pltpu.sync_copy(zrows.at[pl.ds(s * rpt, rpt)],
                      acc.at[pl.ds(s * rpt, rpt)])
      plsc.subcore_barrier()
      for r in range(NRND):
        pltpu.sync_copy(dst3.at[s, r], dst_v)
        pltpu.sync_copy(gidx.at[sl, s, r], gidx_v)
        pltpu.async_copy(table.at[gidx_v.at[0]], rows_a, sema)
        pltpu.async_copy(table.at[gidx_v.at[1]], rows_b, semb)

        def grp(g, carry):
          j0 = 2 * g
          j1 = j0 + 1
          pltpu.make_async_copy(table.at[gidx_v.at[j0]], rows_a, sema).wait()
          pltpu.async_copy(rows_a, acc.at[dst_v.at[j0]], sesa, add=True)
          pltpu.make_async_copy(table.at[gidx_v.at[j1]], rows_b, semb).wait()
          pltpu.async_copy(rows_b, acc.at[dst_v.at[j1]], sesb, add=True)
          pltpu.make_async_copy(rows_a, acc.at[dst_v.at[j0]], sesa).wait()
          pltpu.async_copy(table.at[gidx_v.at[j0 + 2]], rows_a, sema)
          pltpu.make_async_copy(rows_b, acc.at[dst_v.at[j1]], sesb).wait()
          pltpu.async_copy(table.at[gidx_v.at[j1 + 2]], rows_b, semb)
          return carry

        lax.fori_loop(0, nr // 2 - 1, grp, 0)
        jt = nr - 2
        pltpu.make_async_copy(table.at[gidx_v.at[jt]], rows_a, sema).wait()
        pltpu.async_copy(rows_a, acc.at[dst_v.at[jt]], sesa, add=True)
        pltpu.make_async_copy(table.at[gidx_v.at[jt + 1]], rows_b, semb).wait()
        pltpu.async_copy(rows_b, acc.at[dst_v.at[jt + 1]], sesb, add=True)
        pltpu.make_async_copy(rows_a, acc.at[dst_v.at[jt]], sesa).wait()
        pltpu.make_async_copy(rows_b, acc.at[dst_v.at[jt + 1]], sesb).wait()
      plsc.subcore_barrier()
      pltpu.sync_copy(acc.at[pl.ds(s * rpt, rpt)],
                      out.at[sl, pl.ds(s * rpt, rpt)])
      plsc.subcore_barrier()

  return k


def _mlp_tc(x, agg_sl, w1, b1, w2, bm):
  m, k = x.shape
  kh = w1.shape[1]
  n = w2.shape[1]
  s_in = agg_sl.shape[0]
  s_out = n // LW

  def body(x_ref, a_ref, w1_ref, b1_ref, w2_ref, op_ref, ot_ref):
    a = a_ref[...]
    agg = jnp.concatenate([a[i] for i in range(s_in)], axis=-1)
    h = jnp.dot(x_ref[...] + agg, w1_ref[...],
                preferred_element_type=jnp.float32)
    h = jnp.maximum(h + b1_ref[...], 0.0)
    pb = jnp.dot(h, w2_ref[...], preferred_element_type=jnp.float32)
    op_ref[...] = pb
    ot_ref[...] = jnp.stack(
        [pb[:, i * LW:(i + 1) * LW] for i in range(s_out)], axis=0)

  return pl.pallas_call(
      body,
      grid=(m // bm,),
      in_specs=[
          pl.BlockSpec((bm, k), lambda i: (i, 0)),
          pl.BlockSpec((s_in, bm, LW), lambda i: (0, i, 0)),
          pl.BlockSpec((k, kh), lambda i: (0, 0)),
          pl.BlockSpec((1, kh), lambda i: (0, 0)),
          pl.BlockSpec((kh, n), lambda i: (0, 0)),
      ],
      out_specs=[
          pl.BlockSpec((bm, n), lambda i: (i, 0)),
          pl.BlockSpec((s_out, bm, LW), lambda i: (0, i, 0)),
      ],
      out_shape=[
          jax.ShapeDtypeStruct((m, n), jnp.float32),
          jax.ShapeDtypeStruct((s_out, m, LW), jnp.float32),
      ],
  )(x, agg_sl, w1, b1.reshape(1, kh), w2)


def _add_norm_tc(p, agg_sl, b, bm):
  m, n = p.shape
  s_in = agg_sl.shape[0]

  def body(p_ref, a_ref, b_ref, o_ref):
    a = a_ref[...]
    agg = jnp.concatenate([a[i] for i in range(s_in)], axis=-1)
    acc = p_ref[...] + agg + b_ref[...]
    nrm = jnp.sqrt(jnp.sum(acc * acc, axis=-1, keepdims=True))
    o_ref[...] = acc / jnp.maximum(nrm, 1e-12)

  return pl.pallas_call(
      body,
      grid=(m // bm,),
      in_specs=[
          pl.BlockSpec((bm, n), lambda i: (i, 0)),
          pl.BlockSpec((s_in, bm, LW), lambda i: (0, i, 0)),
          pl.BlockSpec((1, n), lambda i: (0, 0)),
      ],
      out_specs=pl.BlockSpec((bm, n), lambda i: (i, 0)),
      out_shape=jax.ShapeDtypeStruct((m, n), jnp.float32),
  )(p, agg_sl, b.reshape(1, n))


def kernel(x, edge_index, W1, b1, W2, b2):
  n_nodes, d_in = x.shape
  d_out = W2.shape[1]
  e = edge_index.shape[1]
  s1 = d_in // LW
  s2 = d_out // LW
  n_acc = -(-(n_nodes + 1) // LW) * LW

  ept = -(-e // NS)
  ept = -(-ept // (2 * CE * NRND)) * (2 * CE * NRND)
  nch = ept // CE
  e_pad = ept * NS
  src = edge_index[0]
  dst = edge_index[1]
  pad = e_pad - e
  ipad = jnp.arange(pad, dtype=jnp.int32)
  src_p = jnp.concatenate([src, jnp.zeros((pad,), jnp.int32)])
  is_pad = jnp.arange(e_pad, dtype=jnp.int32) >= e
  dst_p = jnp.concatenate([dst, ipad % n_nodes])
  dst3 = dst_p.reshape(NS, NRND, nch // NRND, CE)
  zrow1 = s1 * n_nodes + (jnp.arange(e_pad, dtype=jnp.int32) % ZPAD)
  zrow2 = s2 * n_nodes + (jnp.arange(e_pad, dtype=jnp.int32) % ZPAD)
  offs1 = (jnp.arange(s1, dtype=jnp.int32) * n_nodes)[:, None]
  gidx1 = jnp.where(is_pad[None, :], zrow1[None, :],
                    src_p[None, :] + offs1).reshape(s1, NS, NRND,
                                                    nch // NRND, CE)
  offs2 = (jnp.arange(s2, dtype=jnp.int32) * n_nodes)[:, None]
  gidx2 = jnp.where(is_pad[None, :], zrow2[None, :],
                    src_p[None, :] + offs2).reshape(s2, NS, NRND,
                                                    nch // NRND, CE)
  zrows = jnp.zeros((n_acc, LW), jnp.float32)
  ztab = jnp.zeros((ZPAD, LW), jnp.float32)

  table1 = jnp.concatenate(
      [x.reshape(n_nodes, s1, LW).transpose(1, 0, 2).reshape(s1 * n_nodes, LW),
       ztab])
  agg1_sl = _segment_sum_sc(s1, n_nodes, nch)(table1, gidx1, dst3, zrows)
  p, t2sl = _mlp_tc(x, agg1_sl, W1, b1, W2, bm=1000)

  table2 = jnp.concatenate([t2sl.reshape(s2 * n_nodes, LW), ztab])
  agg2_sl = _segment_sum_sc(s2, n_nodes, nch)(table2, gidx2, dst3, zrows)
  out = _add_norm_tc(p, agg2_sl, b2, bm=1000)
  return out

# --- scband reference (transcript-rebuilt; emitter-appended) ---
"""Pipeline reference for scband-gin-75969381531756 (READ-ONLY COPY).

The authoritative reference and input builder live on the scoring server;
editing this copy changes nothing except your own understanding.
"""

import jax, jax.numpy as jnp
import numpy as np

N = 10000
E = 160000
D_IN = 256
D_H = 512
D_OUT = 256


def setup_inputs(seed: int = 0) -> dict:
    key = jax.random.key(seed)
    k1, k2, k3, k4, k5, k6 = jax.random.split(key, 6)
    x = jax.random.normal(k1, (N, D_IN), dtype=jnp.float32)
    edge_index = jax.random.randint(k2, (2, E), 0, N, dtype=jnp.int32)
    # Linear params (PyTorch Linear: y = x @ W.T + b); store as (in, out) for x @ W
    bound1 = 1.0 / np.sqrt(D_IN)
    W1 = jax.random.uniform(k3, (D_IN, D_H), jnp.float32, -bound1, bound1)
    b1 = jax.random.uniform(k4, (D_H,), jnp.float32, -bound1, bound1)
    bound2 = 1.0 / np.sqrt(D_H)
    W2 = jax.random.uniform(k5, (D_H, D_OUT), jnp.float32, -bound2, bound2)
    b2 = jax.random.uniform(k6, (D_OUT,), jnp.float32, -bound2, bound2)
    return {"x": x, "edge_index": edge_index, "W1": W1, "b1": b1, "W2": W2, "b2": b2}


def reference(x, edge_index, W1, b1, W2, b2):
    # GINConv with default eps=0: nn((1+eps)*x + sum_{j in N(i)} x_j)
    src = edge_index[0]
    dst = edge_index[1]
    # layer 1
    agg1 = jax.ops.segment_sum(jnp.take(x, src, axis=0), dst, num_segments=N)
    h = (x + agg1) @ W1 + b1
    h = jax.nn.relu(h)
    # dropout is identity in eval mode
    # layer 2
    agg2 = jax.ops.segment_sum(jnp.take(h, src, axis=0), dst, num_segments=N)
    out = (h + agg2) @ W2 + b2
    # F.normalize(p=2, dim=-1, eps=1e-12)
    norm = jnp.linalg.norm(out, axis=-1, keepdims=True)
    return out / jnp.maximum(norm, 1e-12)

if __name__ == "__main__":
    import jax
    _d = setup_inputs()
    print(jax.jit(kernel)(*tuple(_d.values())))

</pallas_src>

<mosaic_0001>
#map = affine_map<(d0, d1) -> (0, 0)>
#map1 = affine_map<(d0, d1) -> (0, 0, 0, 0, 0)>
#map2 = affine_map<(d0, d1) -> (0, 0, 0, 0)>
#map3 = affine_map<(d0, d1) -> (0, 0, 0)>
module attributes {stable_mosaic.version = 14 : i64} {
  func.func @k(%arg0: i32, %arg1: i32, %arg2: memref<20008x128xf32, #tpu.memory_space<hbm>>, %arg3: memref<2x16x2x40x128xi32, #tpu.memory_space<hbm>>, %arg4: memref<16x2x40x128xi32, #tpu.memory_space<hbm>>, %arg5: memref<10112x128xf32, #tpu.memory_space<hbm>>, %arg6: memref<2x10112x128xf32, #tpu.memory_space<hbm>>, %arg7: memref<40x128xi32, #tpu.memory_space<vmem>>, %arg8: memref<40x128xi32, #tpu.memory_space<vmem>>, %arg9: memref<128x128xf32, #tpu.memory_space<vmem>>, %arg10: memref<128x128xf32, #tpu.memory_space<vmem>>, %arg11: memref<10112x128xf32, #tpu.memory_space<vmem_shared>>, %arg12: memref<!tpu.dma_semaphore, #tpu.memory_space<semaphore_mem>>, %arg13: memref<!tpu.dma_semaphore, #tpu.memory_space<semaphore_mem>>, %arg14: memref<!tpu.dma_semaphore, #tpu.memory_space<semaphore_mem>>, %arg15: memref<!tpu.dma_semaphore, #tpu.memory_space<semaphore_mem>>) attributes {dimension_semantics = [#tpu.dimension_semantics<core_parallel>, #tpu.dimension_semantics<subcore_parallel>], iteration_bounds = array<i64: 2, 16>, scalar_prefetch = 0 : i64, scratch_operands = 9 : i64, tpu.core_type = #tpu.core_type<sc_vector_subcore>, window_params = [{transform_indices = #map}, {transform_indices = #map1}, {transform_indices = #map2}, {transform_indices = #map}, {transform_indices = #map3}]} {
    %mul3A = arith.constant 1 : i32
    %mul3A_0 = arith.muli %arg0, %mul3A : i32
    %add3A = arith.constant 0 : i32
    %add3A_1 = arith.addi %mul3A_0, %add3A : i32
    %mul3A_2 = arith.constant 632 : i32
    %mul3A_3 = arith.muli %arg1, %mul3A_2 : i32
    %mul3A_4 = arith.constant 632 : i32
    %mul3A_5 = arith.muli %arg1, %mul3A_4 : i32
    "tpu.region"() ({
      %run_scoped3A_136 = tpu.sem_alloc : memref<!tpu.dma_semaphore, #tpu.memory_space<semaphore_mem>>
      %dma_start3A_137 = arith.constant 0 : i32
      %dma_start3A_138 = tpu.memref_slice %arg11[%mul3A_5, %dma_start3A_137] : memref<10112x128xf32, #tpu.memory_space<vmem_shared>> -> memref<632x128xf32, #tpu.memory_space<vmem_shared>>
      %dma_start3A_139 = arith.constant 0 : i32
      %dma_start3A_140 = tpu.memref_slice %arg5[%mul3A_3, %dma_start3A_139] : memref<10112x128xf32, #tpu.memory_space<hbm>> -> memref<632x128xf32, #tpu.memory_space<hbm>>
      tpu.enqueue_dma source(%dma_start3A_140 : memref<632x128xf32, #tpu.memory_space<hbm>>) target(%dma_start3A_138 : memref<632x128xf32, #tpu.memory_space<vmem_shared>>) target_semaphore(%run_scoped3A_136 : memref<!tpu.dma_semaphore, #tpu.memory_space<semaphore_mem>>)
      %dma_wait3A_141 = arith.constant 0 : i32
      %dma_wait3A_142 = tpu.memref_slice %arg11[%mul3A_5, %dma_wait3A_141] : memref<10112x128xf32, #tpu.memory_space<vmem_shared>> -> memref<632x128xf32, #tpu.memory_space<vmem_shared>>
      %dma_wait3A_143 = arith.constant 0 : i32
      %dma_wait3A_144 = tpu.memref_slice %arg5[%mul3A_3, %dma_wait3A_143] : memref<10112x128xf32, #tpu.memory_space<hbm>> -> memref<632x128xf32, #tpu.memory_space<hbm>>
      tpu.wait_dma2 semaphore(%run_scoped3A_136 : memref<!tpu.dma_semaphore, #tpu.memory_space<semaphore_mem>>) src(%dma_wait3A_144 : memref<632x128xf32, #tpu.memory_space<hbm>>) dst(%dma_wait3A_142 : memref<632x128xf32, #tpu.memory_space<vmem_shared>>)
      tpu.yield
    }) : () -> ()
    %barrier3A = arith.constant 0 : index
    tpu.barrier barrier_id(%barrier3A)
    %run_scoped3A = arith.constant 0 : i32
    "tpu.region"() ({
      %run_scoped3A_136 = tpu.sem_alloc : memref<!tpu.dma_semaphore, #tpu.memory_space<semaphore_mem>>
      %dma_start3A_137 = arith.constant 0 : i32
      %dma_start3A_138 = arith.constant 0 : i32
      %dma_start3A_139 = tpu.memref_slice %arg4[%arg1, %run_scoped3A, %dma_start3A_137, %dma_start3A_138] : memref<16x2x40x128xi32, #tpu.memory_space<hbm>> -> memref<1x1x40x128xi32, #tpu.memory_space<hbm>>
      %dma_start3A_140 = tpu.memref_squeeze %dma_start3A_139 : memref<1x1x40x128xi32, #tpu.memory_space<hbm>> -> memref<40x128xi32, #tpu.memory_space<hbm>>
      %dma_start3A_141 = arith.constant 0 : i32
      %dma_start3A_142 = arith.constant 0 : i32
      %dma_start3A_143 = tpu.memref_slice %arg4[%arg1, %run_scoped3A, %dma_start3A_141, %dma_start3A_142] : memref<16x2x40x128xi32, #tpu.memory_space<hbm>> -> memref<1x1x40x128xi32, #tpu.memory_space<hbm>>
      %dma_start3A_144 = tpu.memref_squeeze %dma_start3A_143 : memref<1x1x40x128xi32, #tpu.memory_space<hbm>> -> memref<40x128xi32, #tpu.memory_space<hbm>>
      tpu.enqueue_dma source(%dma_start3A_144 : memref<40x128xi32, #tpu.memory_space<hbm>>) target(%arg7 : memref<40x128xi32, #tpu.memory_space<vmem>>) target_semaphore(%run_scoped3A_136 : memref<!tpu.dma_semaphore, #tpu.memory_space<semaphore_mem>>)
      %dma_wait3A_145 = arith.constant 0 : i32
      %dma_wait3A_146 = arith.constant 0 : i32
      %dma_wait3A_147 = tpu.memref_slice %arg4[%arg1, %run_scoped3A, %dma_wait3A_145, %dma_wait3A_146] : memref<16x2x40x128xi32, #tpu.memory_space<hbm>> -> memref<1x1x40x128xi32, #tpu.memory_space<hbm>>
      %dma_wait3A_148 = tpu.memref_squeeze %dma_wait3A_147 : memref<1x1x40x128xi32, #tpu.memory_space<hbm>> -> memref<40x128xi32, #tpu.memory_space<hbm>>
      %dma_wait3A_149 = arith.constant 0 : i32
      %dma_wait3A_150 = arith.constant 0 : i32
      %dma_wait3A_151 = tpu.memref_slice %arg4[%arg1, %run_scoped3A, %dma_wait3A_149, %dma_wait3A_150] : memref<16x2x40x128xi32, #tpu.memory_space<hbm>> -> memref<1x1x40x128xi32, #tpu.memory_space<hbm>>
      %dma_wait3A_152 = tpu.memref_squeeze %dma_wait3A_151 : memref<1x1x40x128xi32, #tpu.memory_space<hbm>> -> memref<40x128xi32, #tpu.memory_space<hbm>>
      tpu.wait_dma2 semaphore(%run_scoped3A_136 : memref<!tpu.dma_semaphore, #tpu.memory_space<semaphore_mem>>) src(%dma_wait3A_152 : memref<40x128xi32, #tpu.memory_space<hbm>>) dst(%arg7 : memref<40x128xi32, #tpu.memory_space<vmem>>)
      tpu.yield
    }) : () -> ()
    %run_scoped3A_6 = arith.constant 0 : i32
    "tpu.region"() ({
      %run_scoped3A_136 = tpu.sem_alloc : memref<!tpu.dma_semaphore, #tpu.memory_space<semaphore_mem>>
      %dma_start3A_137 = arith.constant 0 : i32
      %dma_start3A_138 = arith.constant 0 : i32
      %dma_start3A_139 = tpu.memref_slice %arg3[%add3A_1, %arg1, %run_scoped3A_6, %dma_start3A_137, %dma_start3A_138] : memref<2x16x2x40x128xi32, #tpu.memory_space<hbm>> -> memref<1x1x1x40x128xi32, #tpu.memory_space<hbm>>
      %dma_start3A_140 = tpu.memref_squeeze %dma_start3A_139 : memref<1x1x1x40x128xi32, #tpu.memory_space<hbm>> -> memref<40x128xi32, #tpu.memory_space<hbm>>
      %dma_start3A_141 = arith.constant 0 : i32
      %dma_start3A_142 = arith.constant 0 : i32
      %dma_start3A_143 = tpu.memref_slice %arg3[%add3A_1, %arg1, %run_scoped3A_6, %dma_start3A_141, %dma_start3A_142] : memref<2x16x2x40x128xi32, #tpu.memory_space<hbm>> -> memref<1x1x1x40x128xi32, #tpu.memory_space<hbm>>
      %dma_start3A_144 = tpu.memref_squeeze %dma_start3A_143 : memref<1x1x1x40x128xi32, #tpu.memory_space<hbm>> -> memref<40x128xi32, #tpu.memory_space<hbm>>
      tpu.enqueue_dma source(%dma_start3A_144 : memref<40x128xi32, #tpu.memory_space<hbm>>) target(%arg8 : memref<40x128xi32, #tpu.memory_space<vmem>>) target_semaphore(%run_scoped3A_136 : memref<!tpu.dma_semaphore, #tpu.memory_space<semaphore_mem>>)
      %dma_wait3A_145 = arith.constant 0 : i32
      %dma_wait3A_146 = arith.constant 0 : i32
      %dma_wait3A_147 = tpu.memref_slice %arg3[%add3A_1, %arg1, %run_scoped3A_6, %dma_wait3A_145, %dma_wait3A_146] : memref<2x16x2x40x128xi32, #tpu.memory_space<hbm>> -> memref<1x1x1x40x128xi32, #tpu.memory_space<hbm>>
      %dma_wait3A_148 = tpu.memref_squeeze %dma_wait3A_147 : memref<1x1x1x40x128xi32, #tpu.memory_space<hbm>> -> memref<40x128xi32, #tpu.memory_space<hbm>>
      %dma_wait3A_149 = arith.constant 0 : i32
      %dma_wait3A_150 = arith.constant 0 : i32
      %dma_wait3A_151 = tpu.memref_slice %arg3[%add3A_1, %arg1, %run_scoped3A_6, %dma_wait3A_149, %dma_wait3A_150] : memref<2x16x2x40x128xi32, #tpu.memory_space<hbm>> -> memref<1x1x1x40x128xi32, #tpu.memory_space<hbm>>
      %dma_wait3A_152 = tpu.memref_squeeze %dma_wait3A_151 : memref<1x1x1x40x128xi32, #tpu.memory_space<hbm>> -> memref<40x128xi32, #tpu.memory_space<hbm>>
      tpu.wait_dma2 semaphore(%run_scoped3A_136 : memref<!tpu.dma_semaphore, #tpu.memory_space<semaphore_mem>>) src(%dma_wait3A_152 : memref<40x128xi32, #tpu.memory_space<hbm>>) dst(%arg8 : memref<40x128xi32, #tpu.memory_space<vmem>>)
      tpu.yield
    }) : () -> ()
    %dma_start3A = arith.constant 0 : i32
    %dma_start3A_7 = arith.constant 0 : i32
    %dma_start3A_8 = tpu.memref_slice %arg8[%dma_start3A, %dma_start3A_7] : memref<40x128xi32, #tpu.memory_space<vmem>> -> memref<1x128xi32, #tpu.memory_space<vmem>>
    %dma_start3A_9 = tpu.memref_squeeze %dma_start3A_8 : memref<1x128xi32, #tpu.memory_space<vmem>> -> memref<128xi32, #tpu.memory_space<vmem>>
    %dma_start3A_10 = arith.constant 0 : i32
    %dma_start3A_11 = arith.constant 0 : i32
    %dma_start3A_12 = tpu.memref_slice %arg2[%dma_start3A_10, %dma_start3A_11] : memref<20008x128xf32, #tpu.memory_space<hbm>> -> memref<20008x128xf32, #tpu.memory_space<hbm>>
    tpu.enqueue_indirect_dma source(%dma_start3A_12 : memref<20008x128xf32, #tpu.memory_space<hbm>>) target(%arg9 : memref<128x128xf32, #tpu.memory_space<vmem>>) offsets(%dma_start3A_9 : memref<128xi32, #tpu.memory_space<vmem>>) semaphore(%arg12 : memref<!tpu.dma_semaphore, #tpu.memory_space<semaphore_mem>>)
    %dma_start3A_13 = arith.constant 1 : i32
    %dma_start3A_14 = arith.constant 0 : i32
    %dma_start3A_15 = tpu.memref_slice %arg8[%dma_start3A_13, %dma_start3A_14] : memref<40x128xi32, #tpu.memory_space<vmem>> -> memref<1x128xi32, #tpu.memory_space<vmem>>
    %dma_start3A_16 = tpu.memref_squeeze %dma_start3A_15 : memref<1x128xi32, #tpu.memory_space<vmem>> -> memref<128xi32, #tpu.memory_space<vmem>>
    %dma_start3A_17 = arith.constant 0 : i32
    %dma_start3A_18 = arith.constant 0 : i32
    %dma_start3A_19 = tpu.memref_slice %arg2[%dma_start3A_17, %dma_start3A_18] : memref<20008x128xf32, #tpu.memory_space<hbm>> -> memref<20008x128xf32, #tpu.memory_space<hbm>>
    tpu.enqueue_indirect_dma source(%dma_start3A_19 : memref<20008x128xf32, #tpu.memory_space<hbm>>) target(%arg10 : memref<128x128xf32, #tpu.memory_space<vmem>>) offsets(%dma_start3A_16 : memref<128xi32, #tpu.memory_space<vmem>>) semaphore(%arg13 : memref<!tpu.dma_semaphore, #tpu.memory_space<semaphore_mem>>)
    %scan3A = arith.constant 0 : i32
    %scan3A_20 = arith.constant 0 : i32
    %scan3A_21 = arith.constant 19 : i32
    %scan3A_22 = arith.addi %scan3A_20, %scan3A_21 : i32
    %scan3A_23 = arith.constant 1 : i32
    scf.for %scan3A_136 = %scan3A_20 to %scan3A_22 step %scan3A_23  : i32 {
      %mul3A_137 = arith.constant 2 : i32
      %mul3A_138 = arith.muli %mul3A_137, %scan3A_136 : i32
      %add3A_139 = arith.constant 1 : i32
      %add3A_140 = arith.addi %mul3A_138, %add3A_139 : i32
      %dma_wait3A_141 = arith.constant 0 : i32
      %dma_wait3A_142 = tpu.memref_slice %arg8[%mul3A_138, %dma_wait3A_141] : memref<40x128xi32, #tpu.memory_space<vmem>> -> memref<1x128xi32, #tpu.memory_space<vmem>>
      %dma_wait3A_143 = tpu.memref_squeeze %dma_wait3A_142 : memref<1x128xi32, #tpu.memory_space<vmem>> -> memref<128xi32, #tpu.memory_space<vmem>>
      %dma_wait3A_144 = arith.constant 0 : i32
      %dma_wait3A_145 = arith.constant 0 : i32
      %dma_wait3A_146 = tpu.memref_slice %arg2[%dma_wait3A_144, %dma_wait3A_145] : memref<20008x128xf32, #tpu.memory_space<hbm>> -> memref<20008x128xf32, #tpu.memory_space<hbm>>
      tpu.wait_indirect_dma semaphore(%arg12 : memref<!tpu.dma_semaphore, #tpu.memory_space<semaphore_mem>>) src(%dma_wait3A_146 : memref<20008x128xf32, #tpu.memory_space<hbm>>) dst(%arg9 : memref<128x128xf32, #tpu.memory_space<vmem>>)
      %dma_start3A_147 = arith.constant 0 : i32
      %dma_start3A_148 = tpu.memref_slice %arg7[%mul3A_138, %dma_start3A_147] : memref<40x128xi32, #tpu.memory_space<vmem>> -> memref<1x128xi32, #tpu.memory_space<vmem>>
      %dma_start3A_149 = tpu.memref_squeeze %dma_start3A_148 : memref<1x128xi32, #tpu.memory_space<vmem>> -> memref<128xi32, #tpu.memory_space<vmem>>
      %dma_start3A_150 = arith.constant 0 : i32
      %dma_start3A_151 = arith.constant 0 : i32
      %dma_start3A_152 = tpu.memref_slice %arg11[%dma_start3A_150, %dma_start3A_151] : memref<10112x128xf32, #tpu.memory_space<vmem_shared>> -> memref<10112x128xf32, #tpu.memory_space<vmem_shared>>
      tpu.enqueue_indirect_dma source(%arg9 : memref<128x128xf32, #tpu.memory_space<vmem>>) target(%dma_start3A_152 : memref<10112x128xf32, #tpu.memory_space<vmem_shared>>) offsets(%dma_start3A_149 : memref<128xi32, #tpu.memory_space<vmem>>) semaphore(%arg14 : memref<!tpu.dma_semaphore, #tpu.memory_space<semaphore_mem>>) {add = true}
      %dma_wait3A_153 = arith.constant 0 : i32
      %dma_wait3A_154 = tpu.memref_slice %arg8[%add3A_140, %dma_wait3A_153] : memref<40x128xi32, #tpu.memory_space<vmem>> -> memref<1x128xi32, #tpu.memory_space<vmem>>
      %dma_wait3A_155 = tpu.memref_squeeze %dma_wait3A_154 : memref<1x128xi32, #tpu.memory_space<vmem>> -> memref<128xi32, #tpu.memory_space<vmem>>
      %dma_wait3A_156 = arith.constant 0 : i32
      %dma_wait3A_157 = arith.constant 0 : i32
      %dma_wait3A_158 = tpu.memref_slice %arg2[%dma_wait3A_156, %dma_wait3A_157] : memref<20008x128xf32, #tpu.memory_space<hbm>> -> memref<20008x128xf32, #tpu.memory_space<hbm>>
      tpu.wait_indirect_dma semaphore(%arg13 : memref<!tpu.dma_semaphore, #tpu.memory_space<semaphore_mem>>) src(%dma_wait3A_158 : memref<20008x128xf32, #tpu.memory_space<hbm>>) dst(%arg10 : memref<128x128xf32, #tpu.memory_space<vmem>>)
      %dma_start3A_159 = arith.constant 0 : i32
      %dma_start3A_160 = tpu.memref_slice %arg7[%add3A_140, %dma_start3A_159] : memref<40x128xi32, #tpu.memory_space<vmem>> -> memref<1x128xi32, #tpu.memory_space<vmem>>
      %dma_start3A_161 = tpu.memref_squeeze %dma_start3A_160 : memref<1x128xi32, #tpu.memory_space<vmem>> -> memref<128xi32, #tpu.memory_space<vmem>>
      %dma_start3A_162 = arith.constant 0 : i32
      %dma_start3A_163 = arith.constant 0 : i32
      %dma_start3A_164 = tpu.memref_slice %arg11[%dma_start3A_162, %dma_start3A_163] : memref<10112x128xf32, #tpu.memory_space<vmem_shared>> -> memref<10112x128xf32, #tpu.memory_space<vmem_shared>>
      tpu.enqueue_indirect_dma source(%arg10 : memref<128x128xf32, #tpu.memory_space<vmem>>) target(%dma_start3A_164 : memref<10112x128xf32, #tpu.memory_space<vmem_shared>>) offsets(%dma_start3A_161 : memref<128xi32, #tpu.memory_space<vmem>>) semaphore(%arg15 : memref<!tpu.dma_semaphore, #tpu.memory_space<semaphore_mem>>) {add = true}
      %dma_wait3A_165 = arith.constant 0 : i32
      %dma_wait3A_166 = tpu.memref_slice %arg7[%mul3A_138, %dma_wait3A_165] : memref<40x128xi32, #tpu.memory_space<vmem>> -> memref<1x128xi32, #tpu.memory_space<vmem>>
      %dma_wait3A_167 = tpu.memref_squeeze %dma_wait3A_166 : memref<1x128xi32, #tpu.memory_space<vmem>> -> memref<128xi32, #tpu.memory_space<vmem>>
      %dma_wait3A_168 = arith.constant 0 : i32
      %dma_wait3A_169 = arith.constant 0 : i32
      %dma_wait3A_170 = tpu.memref_slice %arg11[%dma_wait3A_168, %dma_wait3A_169] : memref<10112x128xf32, #tpu.memory_space<vmem_shared>> -> memref<10112x128xf32, #tpu.memory_space<vmem_shared>>
      tpu.wait_indirect_dma semaphore(%arg14 : memref<!tpu.dma_semaphore, #tpu.memory_space<semaphore_mem>>) src(%arg9 : memref<128x128xf32, #tpu.memory_space<vmem>>) dst(%dma_wait3A_170 : memref<10112x128xf32, #tpu.memory_space<vmem_shared>>)
      %add3A_171 = arith.constant 2 : i32
      %add3A_172 = arith.addi %mul3A_138, %add3A_171 : i32
      %dma_start3A_173 = arith.constant 0 : i32
      %dma_start3A_174 = tpu.memref_slice %arg8[%add3A_172, %dma_start3A_173] : memref<40x128xi32, #tpu.memory_space<vmem>> -> memref<1x128xi32, #tpu.memory_space<vmem>>
      %dma_start3A_175 = tpu.memref_squeeze %dma_start3A_174 : memref<1x128xi32, #tpu.memory_space<vmem>> -> memref<128xi32, #tpu.memory_space<vmem>>
      %dma_start3A_176 = arith.constant 0 : i32
      %dma_start3A_177 = arith.constant 0 : i32
      %dma_start3A_178 = tpu.memref_slice %arg2[%dma_start3A_176, %dma_start3A_177] : memref<20008x128xf32, #tpu.memory_space<hbm>> -> memref<20008x128xf32, #tpu.memory_space<hbm>>
      tpu.enqueue_indirect_dma source(%dma_start3A_178 : memref<20008x128xf32, #tpu.memory_space<hbm>>) target(%arg9 : memref<128x128xf32, #tpu.memory_space<vmem>>) offsets(%dma_start3A_175 : memref<128xi32, #tpu.memory_space<vmem>>) semaphore(%arg12 : memref<!tpu.dma_semaphore, #tpu.memory_space<semaphore_mem>>)
      %dma_wait3A_179 = arith.constant 0 : i32
      %dma_wait3A_180 = tpu.memref_slice %arg7[%add3A_140, %dma_wait3A_179] : memref<40x128xi32, #tpu.memory_space<vmem>> -> memref<1x128xi32, #tpu.memory_space<vmem>>
      %dma_wait3A_181 = tpu.memref_squeeze %dma_wait3A_180 : memref<1x128xi32, #tpu.memory_space<vmem>> -> memref<128xi32, #tpu.memory_space<vmem>>
      %dma_wait3A_182 = arith.constant 0 : i32
      %dma_wait3A_183 = arith.constant 0 : i32
      %dma_wait3A_184 = tpu.memref_slice %arg11[%dma_wait3A_182, %dma_wait3A_183] : memref<10112x128xf32, #tpu.memory_space<vmem_shared>> -> memref<10112x128xf32, #tpu.memory_space<vmem_shared>>
      tpu.wait_indirect_dma semaphore(%arg15 : memref<!tpu.dma_semaphore, #tpu.memory_space<semaphore_mem>>) src(%arg10 : memref<128x128xf32, #tpu.memory_space<vmem>>) dst(%dma_wait3A_184 : memref<10112x128xf32, #tpu.memory_space<vmem_shared>>)
      %add3A_185 = arith.constant 2 : i32
      %add3A_186 = arith.addi %add3A_140, %add3A_185 : i32
      %dma_start3A_187 = arith.constant 0 : i32
      %dma_start3A_188 = tpu.memref_slice %arg8[%add3A_186, %dma_start3A_187] : memref<40x128xi32, #tpu.memory_space<vmem>> -> memref<1x128xi32, #tpu.memory_space<vmem>>
      %dma_start3A_189 = tpu.memref_squeeze %dma_start3A_188 : memref<1x128xi32, #tpu.memory_space<vmem>> -> memref<128xi32, #tpu.memory_space<vmem>>
      %dma_start3A_190 = arith.constant 0 : i32
      %dma_start3A_191 = arith.constant 0 : i32
      %dma_start3A_192 = tpu.memref_slice %arg2[%dma_start3A_190, %dma_start3A_191] : memref<20008x128xf32, #tpu.memory_space<hbm>> -> memref<20008x128xf32, #tpu.memory_space<hbm>>
      tpu.enqueue_indirect_dma source(%dma_start3A_192 : memref<20008x128xf32, #tpu.memory_space<hbm>>) target(%arg10 : memref<128x128xf32, #tpu.memory_space<vmem>>) offsets(%dma_start3A_189 : memref<128xi32, #tpu.memory_space<vmem>>) semaphore(%arg13 : memref<!tpu.dma_semaphore, #tpu.memory_space<semaphore_mem>>)
    }
    %scan3A_24 = arith.constant 19 : i32
    %dma_wait3A = arith.constant 38 : i32
    %dma_wait3A_25 = arith.constant 0 : i32
    %dma_wait3A_26 = tpu.memref_slice %arg8[%dma_wait3A, %dma_wait3A_25] : memref<40x128xi32, #tpu.memory_space<vmem>> -> memref<1x128xi32, #tpu.memory_space<vmem>>
    %dma_wait3A_27 = tpu.memref_squeeze %dma_wait3A_26 : memref<1x128xi32, #tpu.memory_space<vmem>> -> memref<128xi32, #tpu.memory_space<vmem>>
    %dma_wait3A_28 = arith.constant 0 : i32
    %dma_wait3A_29 = arith.constant 0 : i32
    %dma_wait3A_30 = tpu.memref_slice %arg2[%dma_wait3A_28, %dma_wait3A_29] : memref<20008x128xf32, #tpu.memory_space<hbm>> -> memref<20008x128xf32, #tpu.memory_space<hbm>>
    tpu.wait_indirect_dma semaphore(%arg12 : memref<!tpu.dma_semaphore, #tpu.memory_space<semaphore_mem>>) src(%dma_wait3A_30 : memref<20008x128xf32, #tpu.memory_space<hbm>>) dst(%arg9 : memref<128x128xf32, #tpu.memory_space<vmem>>)
    %dma_start3A_31 = arith.constant 38 : i32
    %dma_start3A_32 = arith.constant 0 : i32
    %dma_start3A_33 = tpu.memref_slice %arg7[%dma_start3A_31, %dma_start3A_32] : memref<40x128xi32, #tpu.memory_space<vmem>> -> memref<1x128xi32, #tpu.memory_space<vmem>>
    %dma_start3A_34 = tpu.memref_squeeze %dma_start3A_33 : memref<1x128xi32, #tpu.memory_space<vmem>> -> memref<128xi32, #tpu.memory_space<vmem>>
    %dma_start3A_35 = arith.constant 0 : i32
    %dma_start3A_36 = arith.constant 0 : i32
    %dma_start3A_37 = tpu.memref_slice %arg11[%dma_start3A_35, %dma_start3A_36] : memref<10112x128xf32, #tpu.memory_space<vmem_shared>> -> memref<10112x128xf32, #tpu.memory_space<vmem_shared>>
    tpu.enqueue_indirect_dma source(%arg9 : memref<128x128xf32, #tpu.memory_space<vmem>>) target(%dma_start3A_37 : memref<10112x128xf32, #tpu.memory_space<vmem_shared>>) offsets(%dma_start3A_34 : memref<128xi32, #tpu.memory_space<vmem>>) semaphore(%arg14 : memref<!tpu.dma_semaphore, #tpu.memory_space<semaphore_mem>>) {add = true}
    %dma_wait3A_38 = arith.constant 39 : i32
    %dma_wait3A_39 = arith.constant 0 : i32
    %dma_wait3A_40 = tpu.memref_slice %arg8[%dma_wait3A_38, %dma_wait3A_39] : memref<40x128xi32, #tpu.memory_space<vmem>> -> memref<1x128xi32, #tpu.memory_space<vmem>>
    %dma_wait3A_41 = tpu.memref_squeeze %dma_wait3A_40 : memref<1x128xi32, #tpu.memory_space<vmem>> -> memref<128xi32, #tpu.memory_space<vmem>>
    %dma_wait3A_42 = arith.constant 0 : i32
    %dma_wait3A_43 = arith.constant 0 : i32
    %dma_wait3A_44 = tpu.memref_slice %arg2[%dma_wait3A_42, %dma_wait3A_43] : memref<20008x128xf32, #tpu.memory_space<hbm>> -> memref<20008x128xf32, #tpu.memory_space<hbm>>
    tpu.wait_indirect_dma semaphore(%arg13 : memref<!tpu.dma_semaphore, #tpu.memory_space<semaphore_mem>>) src(%dma_wait3A_44 : memref<20008x128xf32, #tpu.memory_space<hbm>>) dst(%arg10 : memref<128x128xf32, #tpu.memory_space<vmem>>)
    %dma_start3A_45 = arith.constant 39 : i32
    %dma_start3A_46 = arith.constant 0 : i32
    %dma_start3A_47 = tpu.memref_slice %arg7[%dma_start3A_45, %dma_start3A_46] : memref<40x128xi32, #tpu.memory_space<vmem>> -> memref<1x128xi32, #tpu.memory_space<vmem>>
    %dma_start3A_48 = tpu.memref_squeeze %dma_start3A_47 : memref<1x128xi32, #tpu.memory_space<vmem>> -> memref<128xi32, #tpu.memory_space<vmem>>
    %dma_start3A_49 = arith.constant 0 : i32
    %dma_start3A_50 = arith.constant 0 : i32
    %dma_start3A_51 = tpu.memref_slice %arg11[%dma_start3A_49, %dma_start3A_50] : memref<10112x128xf32, #tpu.memory_space<vmem_shared>> -> memref<10112x128xf32, #tpu.memory_space<vmem_shared>>
    tpu.enqueue_indirect_dma source(%arg10 : memref<128x128xf32, #tpu.memory_space<vmem>>) target(%dma_start3A_51 : memref<10112x128xf32, #tpu.memory_space<vmem_shared>>) offsets(%dma_start3A_48 : memref<128xi32, #tpu.memory_space<vmem>>) semaphore(%arg15 : memref<!tpu.dma_semaphore, #tpu.memory_space<semaphore_mem>>) {add = true}
    %dma_wait3A_52 = arith.constant 38 : i32
    %dma_wait3A_53 = arith.constant 0 : i32
    %dma_wait3A_54 = tpu.memref_slice %arg7[%dma_wait3A_52, %dma_wait3A_53] : memref<40x128xi32, #tpu.memory_space<vmem>> -> memref<1x128xi32, #tpu.memory_space<vmem>>
    %dma_wait3A_55 = tpu.memref_squeeze %dma_wait3A_54 : memref<1x128xi32, #tpu.memory_space<vmem>> -> memref<128xi32, #tpu.memory_space<vmem>>
    %dma_wait3A_56 = arith.constant 0 : i32
    %dma_wait3A_57 = arith.constant 0 : i32
    %dma_wait3A_58 = tpu.memref_slice %arg11[%dma_wait3A_56, %dma_wait3A_57] : memref<10112x128xf32, #tpu.memory_space<vmem_shared>> -> memref<10112x128xf32, #tpu.memory_space<vmem_shared>>
    tpu.wait_indirect_dma semaphore(%arg14 : memref<!tpu.dma_semaphore, #tpu.memory_space<semaphore_mem>>) src(%arg9 : memref<128x128xf32, #tpu.memory_space<vmem>>) dst(%dma_wait3A_58 : memref<10112x128xf32, #tpu.memory_space<vmem_shared>>)
    %dma_wait3A_59 = arith.constant 39 : i32
    %dma_wait3A_60 = arith.constant 0 : i32
    %dma_wait3A_61 = tpu.memref_slice %arg7[%dma_wait3A_59, %dma_wait3A_60] : memref<40x128xi32, #tpu.memory_space<vmem>> -> memref<1x128xi32, #tpu.memory_space<vmem>>
    %dma_wait3A_62 = tpu.memref_squeeze %dma_wait3A_61 : memref<1x128xi32, #tpu.memory_space<vmem>> -> memref<128xi32, #tpu.memory_space<vmem>>
    %dma_wait3A_63 = arith.constant 0 : i32
    %dma_wait3A_64 = arith.constant 0 : i32
    %dma_wait3A_65 = tpu.memref_slice %arg11[%dma_wait3A_63, %dma_wait3A_64] : memref<10112x128xf32, #tpu.memory_space<vmem_shared>> -> memref<10112x128xf32, #tpu.memory_space<vmem_shared>>
    tpu.wait_indirect_dma semaphore(%arg15 : memref<!tpu.dma_semaphore, #tpu.memory_space<semaphore_mem>>) src(%arg10 : memref<128x128xf32, #tpu.memory_space<vmem>>) dst(%dma_wait3A_65 : memref<10112x128xf32, #tpu.memory_space<vmem_shared>>)
    %run_scoped3A_66 = arith.constant 1 : i32
    "tpu.region"() ({
      %run_scoped3A_136 = tpu.sem_alloc : memref<!tpu.dma_semaphore, #tpu.memory_space<semaphore_mem>>
      %dma_start3A_137 = arith.constant 0 : i32
      %dma_start3A_138 = arith.constant 0 : i32
      %dma_start3A_139 = tpu.memref_slice %arg4[%arg1, %run_scoped3A_66, %dma_start3A_137, %dma_start3A_138] : memref<16x2x40x128xi32, #tpu.memory_space<hbm>> -> memref<1x1x40x128xi32, #tpu.memory_space<hbm>>
      %dma_start3A_140 = tpu.memref_squeeze %dma_start3A_139 : memref<1x1x40x128xi32, #tpu.memory_space<hbm>> -> memref<40x128xi32, #tpu.memory_space<hbm>>
      %dma_start3A_141 = arith.constant 0 : i32
      %dma_start3A_142 = arith.constant 0 : i32
      %dma_start3A_143 = tpu.memref_slice %arg4[%arg1, %run_scoped3A_66, %dma_start3A_141, %dma_start3A_142] : memref<16x2x40x128xi32, #tpu.memory_space<hbm>> -> memref<1x1x40x128xi32, #tpu.memory_space<hbm>>
      %dma_start3A_144 = tpu.memref_squeeze %dma_start3A_143 : memref<1x1x40x128xi32, #tpu.memory_space<hbm>> -> memref<40x128xi32, #tpu.memory_space<hbm>>
      tpu.enqueue_dma source(%dma_start3A_144 : memref<40x128xi32, #tpu.memory_space<hbm>>) target(%arg7 : memref<40x128xi32, #tpu.memory_space<vmem>>) target_semaphore(%run_scoped3A_136 : memref<!tpu.dma_semaphore, #tpu.memory_space<semaphore_mem>>)
      %dma_wait3A_145 = arith.constant 0 : i32
      %dma_wait3A_146 = arith.constant 0 : i32
      %dma_wait3A_147 = tpu.memref_slice %arg4[%arg1, %run_scoped3A_66, %dma_wait3A_145, %dma_wait3A_146] : memref<16x2x40x128xi32, #tpu.memory_space<hbm>> -> memref<1x1x40x128xi32, #tpu.memory_space<hbm>>
      %dma_wait3A_148 = tpu.memref_squeeze %dma_wait3A_147 : memref<1x1x40x128xi32, #tpu.memory_space<hbm>> -> memref<40x128xi32, #tpu.memory_space<hbm>>
      %dma_wait3A_149 = arith.constant 0 : i32
      %dma_wait3A_150 = arith.constant 0 : i32
      %dma_wait3A_151 = tpu.memref_slice %arg4[%arg1, %run_scoped3A_66, %dma_wait3A_149, %dma_wait3A_150] : memref<16x2x40x128xi32, #tpu.memory_space<hbm>> -> memref<1x1x40x128xi32, #tpu.memory_space<hbm>>
      %dma_wait3A_152 = tpu.memref_squeeze %dma_wait3A_151 : memref<1x1x40x128xi32, #tpu.memory_space<hbm>> -> memref<40x128xi32, #tpu.memory_space<hbm>>
      tpu.wait_dma2 semaphore(%run_scoped3A_136 : memref<!tpu.dma_semaphore, #tpu.memory_space<semaphore_mem>>) src(%dma_wait3A_152 : memref<40x128xi32, #tpu.memory_space<hbm>>) dst(%arg7 : memref<40x128xi32, #tpu.memory_space<vmem>>)
      tpu.yield
    }) : () -> ()
    %run_scoped3A_67 = arith.constant 1 : i32
    "tpu.region"() ({
      %run_scoped3A_136 = tpu.sem_alloc : memref<!tpu.dma_semaphore, #tpu.memory_space<semaphore_mem>>
      %dma_start3A_137 = arith.constant 0 : i32
      %dma_start3A_138 = arith.constant 0 : i32
      %dma_start3A_139 = tpu.memref_slice %arg3[%add3A_1, %arg1, %run_scoped3A_67, %dma_start3A_137, %dma_start3A_138] : memref<2x16x2x40x128xi32, #tpu.memory_space<hbm>> -> memref<1x1x1x40x128xi32, #tpu.memory_space<hbm>>
      %dma_start3A_140 = tpu.memref_squeeze %dma_start3A_139 : memref<1x1x1x40x128xi32, #tpu.memory_space<hbm>> -> memref<40x128xi32, #tpu.memory_space<hbm>>
      %dma_start3A_141 = arith.constant 0 : i32
      %dma_start3A_142 = arith.constant 0 : i32
      %dma_start3A_143 = tpu.memref_slice %arg3[%add3A_1, %arg1, %run_scoped3A_67, %dma_start3A_141, %dma_start3A_142] : memref<2x16x2x40x128xi32, #tpu.memory_space<hbm>> -> memref<1x1x1x40x128xi32, #tpu.memory_space<hbm>>
      %dma_start3A_144 = tpu.memref_squeeze %dma_start3A_143 : memref<1x1x1x40x128xi32, #tpu.memory_space<hbm>> -> memref<40x128xi32, #tpu.memory_space<hbm>>
      tpu.enqueue_dma source(%dma_start3A_144 : memref<40x128xi32, #tpu.memory_space<hbm>>) target(%arg8 : memref<40x128xi32, #tpu.memory_space<vmem>>) target_semaphore(%run_scoped3A_136 : memref<!tpu.dma_semaphore, #tpu.memory_space<semaphore_mem>>)
      %dma_wait3A_145 = arith.constant 0 : i32
      %dma_wait3A_146 = arith.constant 0 : i32
      %dma_wait3A_147 = tpu.memref_slice %arg3[%add3A_1, %arg1, %run_scoped3A_67, %dma_wait3A_145, %dma_wait3A_146] : memref<2x16x2x40x128xi32, #tpu.memory_space<hbm>> -> memref<1x1x1x40x128xi32, #tpu.memory_space<hbm>>
      %dma_wait3A_148 = tpu.memref_squeeze %dma_wait3A_147 : memref<1x1x1x40x128xi32, #tpu.memory_space<hbm>> -> memref<40x128xi32, #tpu.memory_space<hbm>>
      %dma_wait3A_149 = arith.constant 0 : i32
      %dma_wait3A_150 = arith.constant 0 : i32
      %dma_wait3A_151 = tpu.memref_slice %arg3[%add3A_1, %arg1, %run_scoped3A_67, %dma_wait3A_149, %dma_wait3A_150] : memref<2x16x2x40x128xi32, #tpu.memory_space<hbm>> -> memref<1x1x1x40x128xi32, #tpu.memory_space<hbm>>
      %dma_wait3A_152 = tpu.memref_squeeze %dma_wait3A_151 : memref<1x1x1x40x128xi32, #tpu.memory_space<hbm>> -> memref<40x128xi32, #tpu.memory_space<hbm>>
      tpu.wait_dma2 semaphore(%run_scoped3A_136 : memref<!tpu.dma_semaphore, #tpu.memory_space<semaphore_mem>>) src(%dma_wait3A_152 : memref<40x128xi32, #tpu.memory_space<hbm>>) dst(%arg8 : memref<40x128xi32, #tpu.memory_space<vmem>>)
      tpu.yield
    }) : () -> ()
    %dma_start3A_68 = arith.constant 0 : i32
    %dma_start3A_69 = arith.constant 0 : i32
    %dma_start3A_70 = tpu.memref_slice %arg8[%dma_start3A_68, %dma_start3A_69] : memref<40x128xi32, #tpu.memory_space<vmem>> -> memref<1x128xi32, #tpu.memory_space<vmem>>
    %dma_start3A_71 = tpu.memref_squeeze %dma_start3A_70 : memref<1x128xi32, #tpu.memory_space<vmem>> -> memref<128xi32, #tpu.memory_space<vmem>>
    %dma_start3A_72 = arith.constant 0 : i32
    %dma_start3A_73 = arith.constant 0 : i32
    %dma_start3A_74 = tpu.memref_slice %arg2[%dma_start3A_72, %dma_start3A_73] : memref<20008x128xf32, #tpu.memory_space<hbm>> -> memref<20008x128xf32, #tpu.memory_space<hbm>>
    tpu.enqueue_indirect_dma source(%dma_start3A_74 : memref<20008x128xf32, #tpu.memory_space<hbm>>) target(%arg9 : memref<128x128xf32, #tpu.memory_space<vmem>>) offsets(%dma_start3A_71 : memref<128xi32, #tpu.memory_space<vmem>>) semaphore(%arg12 : memref<!tpu.dma_semaphore, #tpu.memory_space<semaphore_mem>>)
    %dma_start3A_75 = arith.constant 1 : i32
    %dma_start3A_76 = arith.constant 0 : i32
    %dma_start3A_77 = tpu.memref_slice %arg8[%dma_start3A_75, %dma_start3A_76] : memref<40x128xi32, #tpu.memory_space<vmem>> -> memref<1x128xi32, #tpu.memory_space<vmem>>
    %dma_start3A_78 = tpu.memref_squeeze %dma_start3A_77 : memref<1x128xi32, #tpu.memory_space<vmem>> -> memref<128xi32, #tpu.memory_space<vmem>>
    %dma_start3A_79 = arith.constant 0 : i32
    %dma_start3A_80 = arith.constant 0 : i32
    %dma_start3A_81 = tpu.memref_slice %arg2[%dma_start3A_79, %dma_start3A_80] : memref<20008x128xf32, #tpu.memory_space<hbm>> -> memref<20008x128xf32, #tpu.memory_space<hbm>>
    tpu.enqueue_indirect_dma source(%dma_start3A_81 : memref<20008x128xf32, #tpu.memory_space<hbm>>) target(%arg10 : memref<128x128xf32, #tpu.memory_space<vmem>>) offsets(%dma_start3A_78 : memref<128xi32, #tpu.memory_space<vmem>>) semaphore(%arg13 : memref<!tpu.dma_semaphore, #tpu.memory_space<semaphore_mem>>)
    %scan3A_82 = arith.constant 0 : i32
    %scan3A_83 = arith.constant 0 : i32
    %scan3A_84 = arith.constant 19 : i32
    %scan3A_85 = arith.addi %scan3A_83, %scan3A_84 : i32
    %scan3A_86 = arith.constant 1 : i32
    scf.for %scan3A_136 = %scan3A_83 to %scan3A_85 step %scan3A_86  : i32 {
      %mul3A_137 = arith.constant 2 : i32
      %mul3A_138 = arith.muli %mul3A_137, %scan3A_136 : i32
      %add3A_139 = arith.constant 1 : i32
      %add3A_140 = arith.addi %mul3A_138, %add3A_139 : i32
      %dma_wait3A_141 = arith.constant 0 : i32
      %dma_wait3A_142 = tpu.memref_slice %arg8[%mul3A_138, %dma_wait3A_141] : memref<40x128xi32, #tpu.memory_space<vmem>> -> memref<1x128xi32, #tpu.memory_space<vmem>>
      %dma_wait3A_143 = tpu.memref_squeeze %dma_wait3A_142 : memref<1x128xi32, #tpu.memory_space<vmem>> -> memref<128xi32, #tpu.memory_space<vmem>>
      %dma_wait3A_144 = arith.constant 0 : i32
      %dma_wait3A_145 = arith.constant 0 : i32
      %dma_wait3A_146 = tpu.memref_slice %arg2[%dma_wait3A_144, %dma_wait3A_145] : memref<20008x128xf32, #tpu.memory_space<hbm>> -> memref<20008x128xf32, #tpu.memory_space<hbm>>
      tpu.wait_indirect_dma semaphore(%arg12 : memref<!tpu.dma_semaphore, #tpu.memory_space<semaphore_mem>>) src(%dma_wait3A_146 : memref<20008x128xf32, #tpu.memory_space<hbm>>) dst(%arg9 : memref<128x128xf32, #tpu.memory_space<vmem>>)
      %dma_start3A_147 = arith.constant 0 : i32
      %dma_start3A_148 = tpu.memref_slice %arg7[%mul3A_138, %dma_start3A_147] : memref<40x128xi32, #tpu.memory_space<vmem>> -> memref<1x128xi32, #tpu.memory_space<vmem>>
      %dma_start3A_149 = tpu.memref_squeeze %dma_start3A_148 : memref<1x128xi32, #tpu.memory_space<vmem>> -> memref<128xi32, #tpu.memory_space<vmem>>
      %dma_start3A_150 = arith.constant 0 : i32
      %dma_start3A_151 = arith.constant 0 : i32
      %dma_start3A_152 = tpu.memref_slice %arg11[%dma_start3A_150, %dma_start3A_151] : memref<10112x128xf32, #tpu.memory_space<vmem_shared>> -> memref<10112x128xf32, #tpu.memory_space<vmem_shared>>
      tpu.enqueue_indirect_dma source(%arg9 : memref<128x128xf32, #tpu.memory_space<vmem>>) target(%dma_start3A_152 : memref<10112x128xf32, #tpu.memory_space<vmem_shared>>) offsets(%dma_start3A_149 : memref<128xi32, #tpu.memory_space<vmem>>) semaphore(%arg14 : memref<!tpu.dma_semaphore, #tpu.memory_space<semaphore_mem>>) {add = true}
      %dma_wait3A_153 = arith.constant 0 : i32
      %dma_wait3A_154 = tpu.memref_slice %arg8[%add3A_140, %dma_wait3A_153] : memref<40x128xi32, #tpu.memory_space<vmem>> -> memref<1x128xi32, #tpu.memory_space<vmem>>
      %dma_wait3A_155 = tpu.memref_squeeze %dma_wait3A_154 : memref<1x128xi32, #tpu.memory_space<vmem>> -> memref<128xi32, #tpu.memory_space<vmem>>
      %dma_wait3A_156 = arith.constant 0 : i32
      %dma_wait3A_157 = arith.constant 0 : i32
      %dma_wait3A_158 = tpu.memref_slice %arg2[%dma_wait3A_156, %dma_wait3A_157] : memref<20008x128xf32, #tpu.memory_space<hbm>> -> memref<20008x128xf32, #tpu.memory_space<hbm>>
      tpu.wait_indirect_dma semaphore(%arg13 : memref<!tpu.dma_semaphore, #tpu.memory_space<semaphore_mem>>) src(%dma_wait3A_158 : memref<20008x128xf32, #tpu.memory_space<hbm>>) dst(%arg10 : memref<128x128xf32, #tpu.memory_space<vmem>>)
      %dma_start3A_159 = arith.constant 0 : i32
      %dma_start3A_160 = tpu.memref_slice %arg7[%add3A_140, %dma_start3A_159] : memref<40x128xi32, #tpu.memory_space<vmem>> -> memref<1x128xi32, #tpu.memory_space<vmem>>
      %dma_start3A_161 = tpu.memref_squeeze %dma_start3A_160 : memref<1x128xi32, #tpu.memory_space<vmem>> -> memref<128xi32, #tpu.memory_space<vmem>>
      %dma_start3A_162 = arith.constant 0 : i32
      %dma_start3A_163 = arith.constant 0 : i32
      %dma_start3A_164 = tpu.memref_slice %arg11[%dma_start3A_162, %dma_start3A_163] : memref<10112x128xf32, #tpu.memory_space<vmem_shared>> -> memref<10112x128xf32, #tpu.memory_space<vmem_shared>>
      tpu.enqueue_indirect_dma source(%arg10 : memref<128x128xf32, #tpu.memory_space<vmem>>) target(%dma_start3A_164 : memref<10112x128xf32, #tpu.memory_space<vmem_shared>>) offsets(%dma_start3A_161 : memref<128xi32, #tpu.memory_space<vmem>>) semaphore(%arg15 : memref<!tpu.dma_semaphore, #tpu.memory_space<semaphore_mem>>) {add = true}
      %dma_wait3A_165 = arith.constant 0 : i32
      %dma_wait3A_166 = tpu.memref_slice %arg7[%mul3A_138, %dma_wait3A_165] : memref<40x128xi32, #tpu.memory_space<vmem>> -> memref<1x128xi32, #tpu.memory_space<vmem>>
      %dma_wait3A_167 = tpu.memref_squeeze %dma_wait3A_166 : memref<1x128xi32, #tpu.memory_space<vmem>> -> memref<128xi32, #tpu.memory_space<vmem>>
      %dma_wait3A_168 = arith.constant 0 : i32
      %dma_wait3A_169 = arith.constant 0 : i32
      %dma_wait3A_170 = tpu.memref_slice %arg11[%dma_wait3A_168, %dma_wait3A_169] : memref<10112x128xf32, #tpu.memory_space<vmem_shared>> -> memref<10112x128xf32, #tpu.memory_space<vmem_shared>>
      tpu.wait_indirect_dma semaphore(%arg14 : memref<!tpu.dma_semaphore, #tpu.memory_space<semaphore_mem>>) src(%arg9 : memref<128x128xf32, #tpu.memory_space<vmem>>) dst(%dma_wait3A_170 : memref<10112x128xf32, #tpu.memory_space<vmem_shared>>)
      %add3A_171 = arith.constant 2 : i32
      %add3A_172 = arith.addi %mul3A_138, %add3A_171 : i32
      %dma_start3A_173 = arith.constant 0 : i32
      %dma_start3A_174 = tpu.memref_slice %arg8[%add3A_172, %dma_start3A_173] : memref<40x128xi32, #tpu.memory_space<vmem>> -> memref<1x128xi32, #tpu.memory_space<vmem>>
      %dma_start3A_175 = tpu.memref_squeeze %dma_start3A_174 : memref<1x128xi32, #tpu.memory_space<vmem>> -> memref<128xi32, #tpu.memory_space<vmem>>
      %dma_start3A_176 = arith.constant 0 : i32
      %dma_start3A_177 = arith.constant 0 : i32
      %dma_start3A_178 = tpu.memref_slice %arg2[%dma_start3A_176, %dma_start3A_177] : memref<20008x128xf32, #tpu.memory_space<hbm>> -> memref<20008x128xf32, #tpu.memory_space<hbm>>
      tpu.enqueue_indirect_dma source(%dma_start3A_178 : memref<20008x128xf32, #tpu.memory_space<hbm>>) target(%arg9 : memref<128x128xf32, #tpu.memory_space<vmem>>) offsets(%dma_start3A_175 : memref<128xi32, #tpu.memory_space<vmem>>) semaphore(%arg12 : memref<!tpu.dma_semaphore, #tpu.memory_space<semaphore_mem>>)
      %dma_wait3A_179 = arith.constant 0 : i32
      %dma_wait3A_180 = tpu.memref_slice %arg7[%add3A_140, %dma_wait3A_179] : memref<40x128xi32, #tpu.memory_space<vmem>> -> memref<1x128xi32, #tpu.memory_space<vmem>>
      %dma_wait3A_181 = tpu.memref_squeeze %dma_wait3A_180 : memref<1x128xi32, #tpu.memory_space<vmem>> -> memref<128xi32, #tpu.memory_space<vmem>>
      %dma_wait3A_182 = arith.constant 0 : i32
      %dma_wait3A_183 = arith.constant 0 : i32
      %dma_wait3A_184 = tpu.memref_slice %arg11[%dma_wait3A_182, %dma_wait3A_183] : memref<10112x128xf32, #tpu.memory_space<vmem_shared>> -> memref<10112x128xf32, #tpu.memory_space<vmem_shared>>
      tpu.wait_indirect_dma semaphore(%arg15 : memref<!tpu.dma_semaphore, #tpu.memory_space<semaphore_mem>>) src(%arg10 : memref<128x128xf32, #tpu.memory_space<vmem>>) dst(%dma_wait3A_184 : memref<10112x128xf32, #tpu.memory_space<vmem_shared>>)
      %add3A_185 = arith.constant 2 : i32
      %add3A_186 = arith.addi %add3A_140, %add3A_185 : i32
      %dma_start3A_187 = arith.constant 0 : i32
      %dma_start3A_188 = tpu.memref_slice %arg8[%add3A_186, %dma_start3A_187] : memref<40x128xi32, #tpu.memory_space<vmem>> -> memref<1x128xi32, #tpu.memory_space<vmem>>
      %dma_start3A_189 = tpu.memref_squeeze %dma_start3A_188 : memref<1x128xi32, #tpu.memory_space<vmem>> -> memref<128xi32, #tpu.memory_space<vmem>>
      %dma_start3A_190 = arith.constant 0 : i32
      %dma_start3A_191 = arith.constant 0 : i32
      %dma_start3A_192 = tpu.memref_slice %arg2[%dma_start3A_190, %dma_start3A_191] : memref<20008x128xf32, #tpu.memory_space<hbm>> -> memref<20008x128xf32, #tpu.memory_space<hbm>>
      tpu.enqueue_indirect_dma source(%dma_start3A_192 : memref<20008x128xf32, #tpu.memory_space<hbm>>) target(%arg10 : memref<128x128xf32, #tpu.memory_space<vmem>>) offsets(%dma_start3A_189 : memref<128xi32, #tpu.memory_space<vmem>>) semaphore(%arg13 : memref<!tpu.dma_semaphore, #tpu.memory_space<semaphore_mem>>)
    }
    %scan3A_87 = arith.constant 19 : i32
    %dma_wait3A_88 = arith.constant 38 : i32
    %dma_wait3A_89 = arith.constant 0 : i32
    %dma_wait3A_90 = tpu.memref_slice %arg8[%dma_wait3A_88, %dma_wait3A_89] : memref<40x128xi32, #tpu.memory_space<vmem>> -> memref<1x128xi32, #tpu.memory_space<vmem>>
    %dma_wait3A_91 = tpu.memref_squeeze %dma_wait3A_90 : memref<1x128xi32, #tpu.memory_space<vmem>> -> memref<128xi32, #tpu.memory_space<vmem>>
    %dma_wait3A_92 = arith.constant 0 : i32
    %dma_wait3A_93 = arith.constant 0 : i32
    %dma_wait3A_94 = tpu.memref_slice %arg2[%dma_wait3A_92, %dma_wait3A_93] : memref<20008x128xf32, #tpu.memory_space<hbm>> -> memref<20008x128xf32, #tpu.memory_space<hbm>>
    tpu.wait_indirect_dma semaphore(%arg12 : memref<!tpu.dma_semaphore, #tpu.memory_space<semaphore_mem>>) src(%dma_wait3A_94 : memref<20008x128xf32, #tpu.memory_space<hbm>>) dst(%arg9 : memref<128x128xf32, #tpu.memory_space<vmem>>)
    %dma_start3A_95 = arith.constant 38 : i32
    %dma_start3A_96 = arith.constant 0 : i32
    %dma_start3A_97 = tpu.memref_slice %arg7[%dma_start3A_95, %dma_start3A_96] : memref<40x128xi32, #tpu.memory_space<vmem>> -> memref<1x128xi32, #tpu.memory_space<vmem>>
    %dma_start3A_98 = tpu.memref_squeeze %dma_start3A_97 : memref<1x128xi32, #tpu.memory_space<vmem>> -> memref<128xi32, #tpu.memory_space<vmem>>
    %dma_start3A_99 = arith.constant 0 : i32
    %dma_start3A_100 = arith.constant 0 : i32
    %dma_start3A_101 = tpu.memref_slice %arg11[%dma_start3A_99, %dma_start3A_100] : memref<10112x128xf32, #tpu.memory_space<vmem_shared>> -> memref<10112x128xf32, #tpu.memory_space<vmem_shared>>
    tpu.enqueue_indirect_dma source(%arg9 : memref<128x128xf32, #tpu.memory_space<vmem>>) target(%dma_start3A_101 : memref<10112x128xf32, #tpu.memory_space<vmem_shared>>) offsets(%dma_start3A_98 : memref<128xi32, #tpu.memory_space<vmem>>) semaphore(%arg14 : memref<!tpu.dma_semaphore, #tpu.memory_space<semaphore_mem>>) {add = true}
    %dma_wait3A_102 = arith.constant 39 : i32
    %dma_wait3A_103 = arith.constant 0 : i32
    %dma_wait3A_104 = tpu.memref_slice %arg8[%dma_wait3A_102, %dma_wait3A_103] : memref<40x128xi32, #tpu.memory_space<vmem>> -> memref<1x128xi32, #tpu.memory_space<vmem>>
    %dma_wait3A_105 = tpu.memref_squeeze %dma_wait3A_104 : memref<1x128xi32, #tpu.memory_space<vmem>> -> memref<128xi32, #tpu.memory_space<vmem>>
    %dma_wait3A_106 = arith.constant 0 : i32
    %dma_wait3A_107 = arith.constant 0 : i32
    %dma_wait3A_108 = tpu.memref_slice %arg2[%dma_wait3A_106, %dma_wait3A_107] : memref<20008x128xf32, #tpu.memory_space<hbm>> -> memref<20008x128xf32, #tpu.memory_space<hbm>>
    tpu.wait_indirect_dma semaphore(%arg13 : memref<!tpu.dma_semaphore, #tpu.memory_space<semaphore_mem>>) src(%dma_wait3A_108 : memref<20008x128xf32, #tpu.memory_space<hbm>>) dst(%arg10 : memref<128x128xf32, #tpu.memory_space<vmem>>)
    %dma_start3A_109 = arith.constant 39 : i32
    %dma_start3A_110 = arith.constant 0 : i32
    %dma_start3A_111 = tpu.memref_slice %arg7[%dma_start3A_109, %dma_start3A_110] : memref<40x128xi32, #tpu.memory_space<vmem>> -> memref<1x128xi32, #tpu.memory_space<vmem>>
    %dma_start3A_112 = tpu.memref_squeeze %dma_start3A_111 : memref<1x128xi32, #tpu.memory_space<vmem>> -> memref<128xi32, #tpu.memory_space<vmem>>
    %dma_start3A_113 = arith.constant 0 : i32
    %dma_start3A_114 = arith.constant 0 : i32
    %dma_start3A_115 = tpu.memref_slice %arg11[%dma_start3A_113, %dma_start3A_114] : memref<10112x128xf32, #tpu.memory_space<vmem_shared>> -> memref<10112x128xf32, #tpu.memory_space<vmem_shared>>
    tpu.enqueue_indirect_dma source(%arg10 : memref<128x128xf32, #tpu.memory_space<vmem>>) target(%dma_start3A_115 : memref<10112x128xf32, #tpu.memory_space<vmem_shared>>) offsets(%dma_start3A_112 : memref<128xi32, #tpu.memory_space<vmem>>) semaphore(%arg15 : memref<!tpu.dma_semaphore, #tpu.memory_space<semaphore_mem>>) {add = true}
    %dma_wait3A_116 = arith.constant 38 : i32
    %dma_wait3A_117 = arith.constant 0 : i32
    %dma_wait3A_118 = tpu.memref_slice %arg7[%dma_wait3A_116, %dma_wait3A_117] : memref<40x128xi32, #tpu.memory_space<vmem>> -> memref<1x128xi32, #tpu.memory_space<vmem>>
    %dma_wait3A_119 = tpu.memref_squeeze %dma_wait3A_118 : memref<1x128xi32, #tpu.memory_space<vmem>> -> memref<128xi32, #tpu.memory_space<vmem>>
    %dma_wait3A_120 = arith.constant 0 : i32
    %dma_wait3A_121 = arith.constant 0 : i32
    %dma_wait3A_122 = tpu.memref_slice %arg11[%dma_wait3A_120, %dma_wait3A_121] : memref<10112x128xf32, #tpu.memory_space<vmem_shared>> -> memref<10112x128xf32, #tpu.memory_space<vmem_shared>>
    tpu.wait_indirect_dma semaphore(%arg14 : memref<!tpu.dma_semaphore, #tpu.memory_space<semaphore_mem>>) src(%arg9 : memref<128x128xf32, #tpu.memory_space<vmem>>) dst(%dma_wait3A_122 : memref<10112x128xf32, #tpu.memory_space<vmem_shared>>)
    %dma_wait3A_123 = arith.constant 39 : i32
    %dma_wait3A_124 = arith.constant 0 : i32
    %dma_wait3A_125 = tpu.memref_slice %arg7[%dma_wait3A_123, %dma_wait3A_124] : memref<40x128xi32, #tpu.memory_space<vmem>> -> memref<1x128xi32, #tpu.memory_space<vmem>>
    %dma_wait3A_126 = tpu.memref_squeeze %dma_wait3A_125 : memref<1x128xi32, #tpu.memory_space<vmem>> -> memref<128xi32, #tpu.memory_space<vmem>>
    %dma_wait3A_127 = arith.constant 0 : i32
    %dma_wait3A_128 = arith.constant 0 : i32
    %dma_wait3A_129 = tpu.memref_slice %arg11[%dma_wait3A_127, %dma_wait3A_128] : memref<10112x128xf32, #tpu.memory_space<vmem_shared>> -> memref<10112x128xf32, #tpu.memory_space<vmem_shared>>
    tpu.wait_indirect_dma semaphore(%arg15 : memref<!tpu.dma_semaphore, #tpu.memory_space<semaphore_mem>>) src(%arg10 : memref<128x128xf32, #tpu.memory_space<vmem>>) dst(%dma_wait3A_129 : memref<10112x128xf32, #tpu.memory_space<vmem_shared>>)
    %barrier3A_130 = arith.constant 0 : index
    tpu.barrier barrier_id(%barrier3A_130)
    %mul3A_131 = arith.constant 632 : i32
    %mul3A_132 = arith.muli %arg1, %mul3A_131 : i32
    %mul3A_133 = arith.constant 632 : i32
    %mul3A_134 = arith.muli %arg1, %mul3A_133 : i32
    "tpu.region"() ({
      %run_scoped3A_136 = tpu.sem_alloc : memref<!tpu.dma_semaphore, #tpu.memory_space<semaphore_mem>>
      %dma_start3A_137 = arith.constant 0 : i32
      %dma_start3A_138 = tpu.memref_slice %arg6[%add3A_1, %mul3A_134, %dma_start3A_137] : memref<2x10112x128xf32, #tpu.memory_space<hbm>> -> memref<1x632x128xf32, #tpu.memory_space<hbm>>
      %dma_start3A_139 = tpu.memref_squeeze %dma_start3A_138 : memref<1x632x128xf32, #tpu.memory_space<hbm>> -> memref<632x128xf32, #tpu.memory_space<hbm>>
      %dma_start3A_140 = arith.constant 0 : i32
      %dma_start3A_141 = tpu.memref_slice %arg11[%mul3A_132, %dma_start3A_140] : memref<10112x128xf32, #tpu.memory_space<vmem_shared>> -> memref<632x128xf32, #tpu.memory_space<vmem_shared>>
      tpu.enqueue_dma source(%dma_start3A_141 : memref<632x128xf32, #tpu.memory_space<vmem_shared>>) target(%dma_start3A_139 : memref<632x128xf32, #tpu.memory_space<hbm>>) target_semaphore(%run_scoped3A_136 : memref<!tpu.dma_semaphore, #tpu.memory_space<semaphore_mem>>)
      %dma_wait3A_142 = arith.constant 0 : i32
      %dma_wait3A_143 = tpu.memref_slice %arg6[%add3A_1, %mul3A_134, %dma_wait3A_142] : memref<2x10112x128xf32, #tpu.memory_space<hbm>> -> memref<1x632x128xf32, #tpu.memory_space<hbm>>
      %dma_wait3A_144 = tpu.memref_squeeze %dma_wait3A_143 : memref<1x632x128xf32, #tpu.memory_space<hbm>> -> memref<632x128xf32, #tpu.memory_space<hbm>>
      %dma_wait3A_145 = arith.constant 0 : i32
      %dma_wait3A_146 = tpu.memref_slice %arg11[%mul3A_132, %dma_wait3A_145] : memref<10112x128xf32, #tpu.memory_space<vmem_shared>> -> memref<632x128xf32, #tpu.memory_space<vmem_shared>>
      tpu.wait_dma2 semaphore(%run_scoped3A_136 : memref<!tpu.dma_semaphore, #tpu.memory_space<semaphore_mem>>) src(%dma_wait3A_146 : memref<632x128xf32, #tpu.memory_space<vmem_shared>>) dst(%dma_wait3A_144 : memref<632x128xf32, #tpu.memory_space<hbm>>)
      tpu.yield
    }) : () -> ()
    %barrier3A_135 = arith.constant 0 : index
    tpu.barrier barrier_id(%barrier3A_135)
    return
  }
}

#map = affine_map<(d0, d1) -> (0, 0)>
#map1 = affine_map<(d0, d1) -> (0, 0, 0, 0, 0)>
#map2 = affine_map<(d0, d1) -> (0, 0, 0, 0)>
#map3 = affine_map<(d0, d1) -> (0, 0, 0)>
module attributes {stable_mosaic.version = 14 : i64} {
  func.func @k(%arg0: i32, %arg1: i32, %arg2: memref<20008x128xf32, #tpu.memory_space<hbm>>, %arg3: memref<2x16x2x40x128xi32, #tpu.memory_space<hbm>>, %arg4: memref<16x2x40x128xi32, #tpu.memory_space<hbm>>, %arg5: memref<10112x128xf32, #tpu.memory_space<hbm>>, %arg6: memref<2x10112x128xf32, #tpu.memory_space<hbm>>, %arg7: memref<40x128xi32, #tpu.memory_space<vmem>>, %arg8: memref<40x128xi32, #tpu.memory_space<vmem>>, %arg9: memref<128x128xf32, #tpu.memory_space<vmem>>, %arg10: memref<128x128xf32, #tpu.memory_space<vmem>>, %arg11: memref<10112x128xf32, #tpu.memory_space<vmem_shared>>, %arg12: memref<!tpu.dma_semaphore, #tpu.memory_space<semaphore_mem>>, %arg13: memref<!tpu.dma_semaphore, #tpu.memory_space<semaphore_mem>>, %arg14: memref<!tpu.dma_semaphore, #tpu.memory_space<semaphore_mem>>, %arg15: memref<!tpu.dma_semaphore, #tpu.memory_space<semaphore_mem>>) attributes {dimension_semantics = [#tpu.dimension_semantics<core_parallel>, #tpu.dimension_semantics<subcore_parallel>], iteration_bounds = array<i64: 2, 16>, scalar_prefetch = 0 : i64, scratch_operands = 9 : i64, tpu.core_type = #tpu.core_type<sc_vector_subcore>, window_params = [{transform_indices = #map}, {transform_indices = #map1}, {transform_indices = #map2}, {transform_indices = #map}, {transform_indices = #map3}]} {
    %mul3A = arith.constant 1 : i32
    %mul3A_0 = arith.muli %arg0, %mul3A : i32
    %add3A = arith.constant 0 : i32
    %add3A_1 = arith.addi %mul3A_0, %add3A : i32
    %mul3A_2 = arith.constant 632 : i32
    %mul3A_3 = arith.muli %arg1, %mul3A_2 : i32
    %mul3A_4 = arith.constant 632 : i32
    %mul3A_5 = arith.muli %arg1, %mul3A_4 : i32
    "tpu.region"() ({
      %run_scoped3A_136 = tpu.sem_alloc : memref<!tpu.dma_semaphore, #tpu.memory_space<semaphore_mem>>
      %dma_start3A_137 = arith.constant 0 : i32
      %dma_start3A_138 = tpu.memref_slice %arg11[%mul3A_5, %dma_start3A_137] : memref<10112x128xf32, #tpu.memory_space<vmem_shared>> -> memref<632x128xf32, #tpu.memory_space<vmem_shared>>
      %dma_start3A_139 = arith.constant 0 : i32
      %dma_start3A_140 = tpu.memref_slice %arg5[%mul3A_3, %dma_start3A_139] : memref<10112x128xf32, #tpu.memory_space<hbm>> -> memref<632x128xf32, #tpu.memory_space<hbm>>
      tpu.enqueue_dma source(%dma_start3A_140 : memref<632x128xf32, #tpu.memory_space<hbm>>) target(%dma_start3A_138 : memref<632x128xf32, #tpu.memory_space<vmem_shared>>) target_semaphore(%run_scoped3A_136 : memref<!tpu.dma_semaphore, #tpu.memory_space<semaphore_mem>>)
      %dma_wait3A_141 = arith.constant 0 : i32
      %dma_wait3A_142 = tpu.memref_slice %arg11[%mul3A_5, %dma_wait3A_141] : memref<10112x128xf32, #tpu.memory_space<vmem_shared>> -> memref<632x128xf32, #tpu.memory_space<vmem_shared>>
      %dma_wait3A_143 = arith.constant 0 : i32
      %dma_wait3A_144 = tpu.memref_slice %arg5[%mul3A_3, %dma_wait3A_143] : memref<10112x128xf32, #tpu.memory_space<hbm>> -> memref<632x128xf32, #tpu.memory_space<hbm>>
      tpu.wait_dma2 semaphore(%run_scoped3A_136 : memref<!tpu.dma_semaphore, #tpu.memory_space<semaphore_mem>>) src(%dma_wait3A_144 : memref<632x128xf32, #tpu.memory_space<hbm>>) dst(%dma_wait3A_142 : memref<632x128xf32, #tpu.memory_space<vmem_shared>>)
      tpu.yield
    }) : () -> ()
    %barrier3A = arith.constant 0 : index
    tpu.barrier barrier_id(%barrier3A)
    %run_scoped3A = arith.constant 0 : i32
    "tpu.region"() ({
      %run_scoped3A_136 = tpu.sem_alloc : memref<!tpu.dma_semaphore, #tpu.memory_space<semaphore_mem>>
      %dma_start3A_137 = arith.constant 0 : i32
      %dma_start3A_138 = arith.constant 0 : i32
      %dma_start3A_139 = tpu.memref_slice %arg4[%arg1, %run_scoped3A, %dma_start3A_137, %dma_start3A_138] : memref<16x2x40x128xi32, #tpu.memory_space<hbm>> -> memref<1x1x40x128xi32, #tpu.memory_space<hbm>>
      %dma_start3A_140 = tpu.memref_squeeze %dma_start3A_139 : memref<1x1x40x128xi32, #tpu.memory_space<hbm>> -> memref<40x128xi32, #tpu.memory_space<hbm>>
      %dma_start3A_141 = arith.constant 0 : i32
      %dma_start3A_142 = arith.constant 0 : i32
      %dma_start3A_143 = tpu.memref_slice %arg4[%arg1, %run_scoped3A, %dma_start3A_141, %dma_start3A_142] : memref<16x2x40x128xi32, #tpu.memory_space<hbm>> -> memref<1x1x40x128xi32, #tpu.memory_space<hbm>>
      %dma_start3A_144 = tpu.memref_squeeze %dma_start3A_143 : memref<1x1x40x128xi32, #tpu.memory_space<hbm>> -> memref<40x128xi32, #tpu.memory_space<hbm>>
      tpu.enqueue_dma source(%dma_start3A_144 : memref<40x128xi32, #tpu.memory_space<hbm>>) target(%arg7 : memref<40x128xi32, #tpu.memory_space<vmem>>) target_semaphore(%run_scoped3A_136 : memref<!tpu.dma_semaphore, #tpu.memory_space<semaphore_mem>>)
      %dma_wait3A_145 = arith.constant 0 : i32
      %dma_wait3A_146 = arith.constant 0 : i32
      %dma_wait3A_147 = tpu.memref_slice %arg4[%arg1, %run_scoped3A, %dma_wait3A_145, %dma_wait3A_146] : memref<16x2x40x128xi32, #tpu.memory_space<hbm>> -> memref<1x1x40x128xi32, #tpu.memory_space<hbm>>
      %dma_wait3A_148 = tpu.memref_squeeze %dma_wait3A_147 : memref<1x1x40x128xi32, #tpu.memory_space<hbm>> -> memref<40x128xi32, #tpu.memory_space<hbm>>
      %dma_wait3A_149 = arith.constant 0 : i32
      %dma_wait3A_150 = arith.constant 0 : i32
      %dma_wait3A_151 = tpu.memref_slice %arg4[%arg1, %run_scoped3A, %dma_wait3A_149, %dma_wait3A_150] : memref<16x2x40x128xi32, #tpu.memory_space<hbm>> -> memref<1x1x40x128xi32, #tpu.memory_space<hbm>>
      %dma_wait3A_152 = tpu.memref_squeeze %dma_wait3A_151 : memref<1x1x40x128xi32, #tpu.memory_space<hbm>> -> memref<40x128xi32, #tpu.memory_space<hbm>>
      tpu.wait_dma2 semaphore(%run_scoped3A_136 : memref<!tpu.dma_semaphore, #tpu.memory_space<semaphore_mem>>) src(%dma_wait3A_152 : memref<40x128xi32, #tpu.memory_space<hbm>>) dst(%arg7 : memref<40x128xi32, #tpu.memory_space<vmem>>)
      tpu.yield
    }) : () -> ()
    %run_scoped3A_6 = arith.constant 0 : i32
    "tpu.region"() ({
      %run_scoped3A_136 = tpu.sem_alloc : memref<!tpu.dma_semaphore, #tpu.memory_space<semaphore_mem>>
      %dma_start3A_137 = arith.constant 0 : i32
      %dma_start3A_138 = arith.constant 0 : i32
      %dma_start3A_139 = tpu.memref_slice %arg3[%add3A_1, %arg1, %run_scoped3A_6, %dma_start3A_137, %dma_start3A_138] : memref<2x16x2x40x128xi32, #tpu.memory_space<hbm>> -> memref<1x1x1x40x128xi32, #tpu.memory_space<hbm>>
      %dma_start3A_140 = tpu.memref_squeeze %dma_start3A_139 : memref<1x1x1x40x128xi32, #tpu.memory_space<hbm>> -> memref<40x128xi32, #tpu.memory_space<hbm>>
      %dma_start3A_141 = arith.constant 0 : i32
      %dma_start3A_142 = arith.constant 0 : i32
      %dma_start3A_143 = tpu.memref_slice %arg3[%add3A_1, %arg1, %run_scoped3A_6, %dma_start3A_141, %dma_start3A_142] : memref<2x16x2x40x128xi32, #tpu.memory_space<hbm>> -> memref<1x1x1x40x128xi32, #tpu.memory_space<hbm>>
      %dma_start3A_144 = tpu.memref_squeeze %dma_start3A_143 : memref<1x1x1x40x128xi32, #tpu.memory_space<hbm>> -> memref<40x128xi32, #tpu.memory_space<hbm>>
      tpu.enqueue_dma source(%dma_start3A_144 : memref<40x128xi32, #tpu.memory_space<hbm>>) target(%arg8 : memref<40x128xi32, #tpu.memory_space<vmem>>) target_semaphore(%run_scoped3A_136 : memref<!tpu.dma_semaphore, #tpu.memory_space<semaphore_mem>>)
      %dma_wait3A_145 = arith.constant 0 : i32
      %dma_wait3A_146 = arith.constant 0 : i32
      %dma_wait3A_147 = tpu.memref_slice %arg3[%add3A_1, %arg1, %run_scoped3A_6, %dma_wait3A_145, %dma_wait3A_146] : memref<2x16x2x40x128xi32, #tpu.memory_space<hbm>> -> memref<1x1x1x40x128xi32, #tpu.memory_space<hbm>>
      %dma_wait3A_148 = tpu.memref_squeeze %dma_wait3A_147 : memref<1x1x1x40x128xi32, #tpu.memory_space<hbm>> -> memref<40x128xi32, #tpu.memory_space<hbm>>
      %dma_wait3A_149 = arith.constant 0 : i32
      %dma_wait3A_150 = arith.constant 0 : i32
      %dma_wait3A_151 = tpu.memref_slice %arg3[%add3A_1, %arg1, %run_scoped3A_6, %dma_wait3A_149, %dma_wait3A_150] : memref<2x16x2x40x128xi32, #tpu.memory_space<hbm>> -> memref<1x1x1x40x128xi32, #tpu.memory_space<hbm>>
      %dma_wait3A_152 = tpu.memref_squeeze %dma_wait3A_151 : memref<1x1x1x40x128xi32, #tpu.memory_space<hbm>> -> memref<40x128xi32, #tpu.memory_space<hbm>>
      tpu.wait_dma2 semaphore(%run_scoped3A_136 : memref<!tpu.dma_semaphore, #tpu.memory_space<semaphore_mem>>) src(%dma_wait3A_152 : memref<40x128xi32, #tpu.memory_space<hbm>>) dst(%arg8 : memref<40x128xi32, #tpu.memory_space<vmem>>)
      tpu.yield
    }) : () -> ()
    %dma_start3A = arith.constant 0 : i32
    %dma_start3A_7 = arith.constant 0 : i32
    %dma_start3A_8 = tpu.memref_slice %arg8[%dma_start3A, %dma_start3A_7] : memref<40x128xi32, #tpu.memory_space<vmem>> -> memref<1x128xi32, #tpu.memory_space<vmem>>
    %dma_start3A_9 = tpu.memref_squeeze %dma_start3A_8 : memref<1x128xi32, #tpu.memory_space<vmem>> -> memref<128xi32, #tpu.memory_space<vmem>>
    %dma_start3A_10 = arith.constant 0 : i32
    %dma_start3A_11 = arith.constant 0 : i32
    %dma_start3A_12 = tpu.memref_slice %arg2[%dma_start3A_10, %dma_start3A_11] : memref<20008x128xf32, #tpu.memory_space<hbm>> -> memref<20008x128xf32, #tpu.memory_space<hbm>>
    tpu.enqueue_indirect_dma source(%dma_start3A_12 : memref<20008x128xf32, #tpu.memory_space<hbm>>) target(%arg9 : memref<128x128xf32, #tpu.memory_space<vmem>>) offsets(%dma_start3A_9 : memref<128xi32, #tpu.memory_space<vmem>>) semaphore(%arg12 : memref<!tpu.dma_semaphore, #tpu.memory_space<semaphore_mem>>)
    %dma_start3A_13 = arith.constant 1 : i32
    %dma_start3A_14 = arith.constant 0 : i32
    %dma_start3A_15 = tpu.memref_slice %arg8[%dma_start3A_13, %dma_start3A_14] : memref<40x128xi32, #tpu.memory_space<vmem>> -> memref<1x128xi32, #tpu.memory_space<vmem>>
    %dma_start3A_16 = tpu.memref_squeeze %dma_start3A_15 : memref<1x128xi32, #tpu.memory_space<vmem>> -> memref<128xi32, #tpu.memory_space<vmem>>
    %dma_start3A_17 = arith.constant 0 : i32
    %dma_start3A_18 = arith.constant 0 : i32
    %dma_start3A_19 = tpu.memref_slice %arg2[%dma_start3A_17, %dma_start3A_18] : memref<20008x128xf32, #tpu.memory_space<hbm>> -> memref<20008x128xf32, #tpu.memory_space<hbm>>
    tpu.enqueue_indirect_dma source(%dma_start3A_19 : memref<20008x128xf32, #tpu.memory_space<hbm>>) target(%arg10 : memref<128x128xf32, #tpu.memory_space<vmem>>) offsets(%dma_start3A_16 : memref<128xi32, #tpu.memory_space<vmem>>) semaphore(%arg13 : memref<!tpu.dma_semaphore, #tpu.memory_space<semaphore_mem>>)
    %scan3A = arith.constant 0 : i32
    %scan3A_20 = arith.constant 0 : i32
    %scan3A_21 = arith.constant 19 : i32
    %scan3A_22 = arith.addi %scan3A_20, %scan3A_21 : i32
    %scan3A_23 = arith.constant 1 : i32
    scf.for %scan3A_136 = %scan3A_20 to %scan3A_22 step %scan3A_23  : i32 {
      %mul3A_137 = arith.constant 2 : i32
      %mul3A_138 = arith.muli %mul3A_137, %scan3A_136 : i32
      %add3A_139 = arith.constant 1 : i32
      %add3A_140 = arith.addi %mul3A_138, %add3A_139 : i32
      %dma_wait3A_141 = arith.constant 0 : i32
      %dma_wait3A_142 = tpu.memref_slice %arg8[%mul3A_138, %dma_wait3A_141] : memref<40x128xi32, #tpu.memory_space<vmem>> -> memref<1x128xi32, #tpu.memory_space<vmem>>
      %dma_wait3A_143 = tpu.memref_squeeze %dma_wait3A_142 : memref<1x128xi32, #tpu.memory_space<vmem>> -> memref<128xi32, #tpu.memory_space<vmem>>
      %dma_wait3A_144 = arith.constant 0 : i32
      %dma_wait3A_145 = arith.constant 0 : i32
      %dma_wait3A_146 = tpu.memref_slice %arg2[%dma_wait3A_144, %dma_wait3A_145] : memref<20008x128xf32, #tpu.memory_space<hbm>> -> memref<20008x128xf32, #tpu.memory_space<hbm>>
      tpu.wait_indirect_dma semaphore(%arg12 : memref<!tpu.dma_semaphore, #tpu.memory_space<semaphore_mem>>) src(%dma_wait3A_146 : memref<20008x128xf32, #tpu.memory_space<hbm>>) dst(%arg9 : memref<128x128xf32, #tpu.memory_space<vmem>>)
      %dma_start3A_147 = arith.constant 0 : i32
      %dma_start3A_148 = tpu.memref_slice %arg7[%mul3A_138, %dma_start3A_147] : memref<40x128xi32, #tpu.memory_space<vmem>> -> memref<1x128xi32, #tpu.memory_space<vmem>>
      %dma_start3A_149 = tpu.memref_squeeze %dma_start3A_148 : memref<1x128xi32, #tpu.memory_space<vmem>> -> memref<128xi32, #tpu.memory_space<vmem>>
      %dma_start3A_150 = arith.constant 0 : i32
      %dma_start3A_151 = arith.constant 0 : i32
      %dma_start3A_152 = tpu.memref_slice %arg11[%dma_start3A_150, %dma_start3A_151] : memref<10112x128xf32, #tpu.memory_space<vmem_shared>> -> memref<10112x128xf32, #tpu.memory_space<vmem_shared>>
      tpu.enqueue_indirect_dma source(%arg9 : memref<128x128xf32, #tpu.memory_space<vmem>>) target(%dma_start3A_152 : memref<10112x128xf32, #tpu.memory_space<vmem_shared>>) offsets(%dma_start3A_149 : memref<128xi32, #tpu.memory_space<vmem>>) semaphore(%arg14 : memref<!tpu.dma_semaphore, #tpu.memory_space<semaphore_mem>>) {add = true}
      %dma_wait3A_153 = arith.constant 0 : i32
      %dma_wait3A_154 = tpu.memref_slice %arg8[%add3A_140, %dma_wait3A_153] : memref<40x128xi32, #tpu.memory_space<vmem>> -> memref<1x128xi32, #tpu.memory_space<vmem>>
      %dma_wait3A_155 = tpu.memref_squeeze %dma_wait3A_154 : memref<1x128xi32, #tpu.memory_space<vmem>> -> memref<128xi32, #tpu.memory_space<vmem>>
      %dma_wait3A_156 = arith.constant 0 : i32
      %dma_wait3A_157 = arith.constant 0 : i32
      %dma_wait3A_158 = tpu.memref_slice %arg2[%dma_wait3A_156, %dma_wait3A_157] : memref<20008x128xf32, #tpu.memory_space<hbm>> -> memref<20008x128xf32, #tpu.memory_space<hbm>>
      tpu.wait_indirect_dma semaphore(%arg13 : memref<!tpu.dma_semaphore, #tpu.memory_space<semaphore_mem>>) src(%dma_wait3A_158 : memref<20008x128xf32, #tpu.memory_space<hbm>>) dst(%arg10 : memref<128x128xf32, #tpu.memory_space<vmem>>)
      %dma_start3A_159 = arith.constant 0 : i32
      %dma_start3A_160 = tpu.memref_slice %arg7[%add3A_140, %dma_start3A_159] : memref<40x128xi32, #tpu.memory_space<vmem>> -> memref<1x128xi32, #tpu.memory_space<vmem>>
      %dma_start3A_161 = tpu.memref_squeeze %dma_start3A_160 : memref<1x128xi32, #tpu.memory_space<vmem>> -> memref<128xi32, #tpu.memory_space<vmem>>
      %dma_start3A_162 = arith.constant 0 : i32
      %dma_start3A_163 = arith.constant 0 : i32
      %dma_start3A_164 = tpu.memref_slice %arg11[%dma_start3A_162, %dma_start3A_163] : memref<10112x128xf32, #tpu.memory_space<vmem_shared>> -> memref<10112x128xf32, #tpu.memory_space<vmem_shared>>
      tpu.enqueue_indirect_dma source(%arg10 : memref<128x128xf32, #tpu.memory_space<vmem>>) target(%dma_start3A_164 : memref<10112x128xf32, #tpu.memory_space<vmem_shared>>) offsets(%dma_start3A_161 : memref<128xi32, #tpu.memory_space<vmem>>) semaphore(%arg15 : memref<!tpu.dma_semaphore, #tpu.memory_space<semaphore_mem>>) {add = true}
      %dma_wait3A_165 = arith.constant 0 : i32
      %dma_wait3A_166 = tpu.memref_slice %arg7[%mul3A_138, %dma_wait3A_165] : memref<40x128xi32, #tpu.memory_space<vmem>> -> memref<1x128xi32, #tpu.memory_space<vmem>>
      %dma_wait3A_167 = tpu.memref_squeeze %dma_wait3A_166 : memref<1x128xi32, #tpu.memory_space<vmem>> -> memref<128xi32, #tpu.memory_space<vmem>>
      %dma_wait3A_168 = arith.constant 0 : i32
      %dma_wait3A_169 = arith.constant 0 : i32
      %dma_wait3A_170 = tpu.memref_slice %arg11[%dma_wait3A_168, %dma_wait3A_169] : memref<10112x128xf32, #tpu.memory_space<vmem_shared>> -> memref<10112x128xf32, #tpu.memory_space<vmem_shared>>
      tpu.wait_indirect_dma semaphore(%arg14 : memref<!tpu.dma_semaphore, #tpu.memory_space<semaphore_mem>>) src(%arg9 : memref<128x128xf32, #tpu.memory_space<vmem>>) dst(%dma_wait3A_170 : memref<10112x128xf32, #tpu.memory_space<vmem_shared>>)
      %add3A_171 = arith.constant 2 : i32
      %add3A_172 = arith.addi %mul3A_138, %add3A_171 : i32
      %dma_start3A_173 = arith.constant 0 : i32
      %dma_start3A_174 = tpu.memref_slice %arg8[%add3A_172, %dma_start3A_173] : memref<40x128xi32, #tpu.memory_space<vmem>> -> memref<1x128xi32, #tpu.memory_space<vmem>>
      %dma_start3A_175 = tpu.memref_squeeze %dma_start3A_174 : memref<1x128xi32, #tpu.memory_space<vmem>> -> memref<128xi32, #tpu.memory_space<vmem>>
      %dma_start3A_176 = arith.constant 0 : i32
      %dma_start3A_177 = arith.constant 0 : i32
      %dma_start3A_178 = tpu.memref_slice %arg2[%dma_start3A_176, %dma_start3A_177] : memref<20008x128xf32, #tpu.memory_space<hbm>> -> memref<20008x128xf32, #tpu.memory_space<hbm>>
      tpu.enqueue_indirect_dma source(%dma_start3A_178 : memref<20008x128xf32, #tpu.memory_space<hbm>>) target(%arg9 : memref<128x128xf32, #tpu.memory_space<vmem>>) offsets(%dma_start3A_175 : memref<128xi32, #tpu.memory_space<vmem>>) semaphore(%arg12 : memref<!tpu.dma_semaphore, #tpu.memory_space<semaphore_mem>>)
      %dma_wait3A_179 = arith.constant 0 : i32
      %dma_wait3A_180 = tpu.memref_slice %arg7[%add3A_140, %dma_wait3A_179] : memref<40x128xi32, #tpu.memory_space<vmem>> -> memref<1x128xi32, #tpu.memory_space<vmem>>
      %dma_wait3A_181 = tpu.memref_squeeze %dma_wait3A_180 : memref<1x128xi32, #tpu.memory_space<vmem>> -> memref<128xi32, #tpu.memory_space<vmem>>
      %dma_wait3A_182 = arith.constant 0 : i32
      %dma_wait3A_183 = arith.constant 0 : i32
      %dma_wait3A_184 = tpu.memref_slice %arg11[%dma_wait3A_182, %dma_wait3A_183] : memref<10112x128xf32, #tpu.memory_space<vmem_shared>> -> memref<10112x128xf32, #tpu.memory_space<vmem_shared>>
      tpu.wait_indirect_dma semaphore(%arg15 : memref<!tpu.dma_semaphore, #tpu.memory_space<semaphore_mem>>) src(%arg10 : memref<128x128xf32, #tpu.memory_space<vmem>>) dst(%dma_wait3A_184 : memref<10112x128xf32, #tpu.memory_space<vmem_shared>>)
      %add3A_185 = arith.constant 2 : i32
      %add3A_186 = arith.addi %add3A_140, %add3A_185 : i32
      %dma_start3A_187 = arith.constant 0 : i32
      %dma_start3A_188 = tpu.memref_slice %arg8[%add3A_186, %dma_start3A_187] : memref<40x128xi32, #tpu.memory_space<vmem>> -> memref<1x128xi32, #tpu.memory_space<vmem>>
      %dma_start3A_189 = tpu.memref_squeeze %dma_start3A_188 : memref<1x128xi32, #tpu.memory_space<vmem>> -> memref<128xi32, #tpu.memory_space<vmem>>
      %dma_start3A_190 = arith.constant 0 : i32
      %dma_start3A_191 = arith.constant 0 : i32
      %dma_start3A_192 = tpu.memref_slice %arg2[%dma_start3A_190, %dma_start3A_191] : memref<20008x128xf32, #tpu.memory_space<hbm>> -> memref<20008x128xf32, #tpu.memory_space<hbm>>
      tpu.enqueue_indirect_dma source(%dma_start3A_192 : memref<20008x128xf32, #tpu.memory_space<hbm>>) target(%arg10 : memref<128x128xf32, #tpu.memory_space<vmem>>) offsets(%dma_start3A_189 : memref<128xi32, #tpu.memory_space<vmem>>) semaphore(%arg13 : memref<!tpu.dma_semaphore, #tpu.memory_space<semaphore_mem>>)
    }
    %scan3A_24 = arith.constant 19 : i32
    %dma_wait3A = arith.constant 38 : i32
    %dma_wait3A_25 = arith.constant 0 : i32
    %dma_wait3A_26 = tpu.memref_slice %arg8[%dma_wait3A, %dma_wait3A_25] : memref<40x128xi32, #tpu.memory_space<vmem>> -> memref<1x128xi32, #tpu.memory_space<vmem>>
    %dma_wait3A_27 = tpu.memref_squeeze %dma_wait3A_26 : memref<1x128xi32, #tpu.memory_space<vmem>> -> memref<128xi32, #tpu.memory_space<vmem>>
    %dma_wait3A_28 = arith.constant 0 : i32
    %dma_wait3A_29 = arith.constant 0 : i32
    %dma_wait3A_30 = tpu.memref_slice %arg2[%dma_wait3A_28, %dma_wait3A_29] : memref<20008x128xf32, #tpu.memory_space<hbm>> -> memref<20008x128xf32, #tpu.memory_space<hbm>>
    tpu.wait_indirect_dma semaphore(%arg12 : memref<!tpu.dma_semaphore, #tpu.memory_space<semaphore_mem>>) src(%dma_wait3A_30 : memref<20008x128xf32, #tpu.memory_space<hbm>>) dst(%arg9 : memref<128x128xf32, #tpu.memory_space<vmem>>)
    %dma_start3A_31 = arith.constant 38 : i32
    %dma_start3A_32 = arith.constant 0 : i32
    %dma_start3A_33 = tpu.memref_slice %arg7[%dma_start3A_31, %dma_start3A_32] : memref<40x128xi32, #tpu.memory_space<vmem>> -> memref<1x128xi32, #tpu.memory_space<vmem>>
    %dma_start3A_34 = tpu.memref_squeeze %dma_start3A_33 : memref<1x128xi32, #tpu.memory_space<vmem>> -> memref<128xi32, #tpu.memory_space<vmem>>
    %dma_start3A_35 = arith.constant 0 : i32
    %dma_start3A_36 = arith.constant 0 : i32
    %dma_start3A_37 = tpu.memref_slice %arg11[%dma_start3A_35, %dma_start3A_36] : memref<10112x128xf32, #tpu.memory_space<vmem_shared>> -> memref<10112x128xf32, #tpu.memory_space<vmem_shared>>
    tpu.enqueue_indirect_dma source(%arg9 : memref<128x128xf32, #tpu.memory_space<vmem>>) target(%dma_start3A_37 : memref<10112x128xf32, #tpu.memory_space<vmem_shared>>) offsets(%dma_start3A_34 : memref<128xi32, #tpu.memory_space<vmem>>) semaphore(%arg14 : memref<!tpu.dma_semaphore, #tpu.memory_space<semaphore_mem>>) {add = true}
    %dma_wait3A_38 = arith.constant 39 : i32
    %dma_wait3A_39 = arith.constant 0 : i32
    %dma_wait3A_40 = tpu.memref_slice %arg8[%dma_wait3A_38, %dma_wait3A_39] : memref<40x128xi32, #tpu.memory_space<vmem>> -> memref<1x128xi32, #tpu.memory_space<vmem>>
    %dma_wait3A_41 = tpu.memref_squeeze %dma_wait3A_40 : memref<1x128xi32, #tpu.memory_space<vmem>> -> memref<128xi32, #tpu.memory_space<vmem>>
    %dma_wait3A_42 = arith.constant 0 : i32
    %dma_wait3A_43 = arith.constant 0 : i32
    %dma_wait3A_44 = tpu.memref_slice %arg2[%dma_wait3A_42, %dma_wait3A_43] : memref<20008x128xf32, #tpu.memory_space<hbm>> -> memref<20008x128xf32, #tpu.memory_space<hbm>>
    tpu.wait_indirect_dma semaphore(%arg13 : memref<!tpu.dma_semaphore, #tpu.memory_space<semaphore_mem>>) src(%dma_wait3A_44 : memref<20008x128xf32, #tpu.memory_space<hbm>>) dst(%arg10 : memref<128x128xf32, #tpu.memory_space<vmem>>)
    %dma_start3A_45 = arith.constant 39 : i32
    %dma_start3A_46 = arith.constant 0 : i32
    %dma_start3A_47 = tpu.memref_slice %arg7[%dma_start3A_45, %dma_start3A_46] : memref<40x128xi32, #tpu.memory_space<vmem>> -> memref<1x128xi32, #tpu.memory_space<vmem>>
    %dma_start3A_48 = tpu.memref_squeeze %dma_start3A_47 : memref<1x128xi32, #tpu.memory_space<vmem>> -> memref<128xi32, #tpu.memory_space<vmem>>
    %dma_start3A_49 = arith.constant 0 : i32
    %dma_start3A_50 = arith.constant 0 : i32
    %dma_start3A_51 = tpu.memref_slice %arg11[%dma_start3A_49, %dma_start3A_50] : memref<10112x128xf32, #tpu.memory_space<vmem_shared>> -> memref<10112x128xf32, #tpu.memory_space<vmem_shared>>
    tpu.enqueue_indirect_dma source(%arg10 : memref<128x128xf32, #tpu.memory_space<vmem>>) target(%dma_start3A_51 : memref<10112x128xf32, #tpu.memory_space<vmem_shared>>) offsets(%dma_start3A_48 : memref<128xi32, #tpu.memory_space<vmem>>) semaphore(%arg15 : memref<!tpu.dma_semaphore, #tpu.memory_space<semaphore_mem>>) {add = true}
    %dma_wait3A_52 = arith.constant 38 : i32
    %dma_wait3A_53 = arith.constant 0 : i32
    %dma_wait3A_54 = tpu.memref_slice %arg7[%dma_wait3A_52, %dma_wait3A_53] : memref<40x128xi32, #tpu.memory_space<vmem>> -> memref<1x128xi32, #tpu.memory_space<vmem>>
    %dma_wait3A_55 = tpu.memref_squeeze %dma_wait3A_54 : memref<1x128xi32, #tpu.memory_space<vmem>> -> memref<128xi32, #tpu.memory_space<vmem>>
    %dma_wait3A_56 = arith.constant 0 : i32
    %dma_wait3A_57 = arith.constant 0 : i32
    %dma_wait3A_58 = tpu.memref_slice %arg11[%dma_wait3A_56, %dma_wait3A_57] : memref<10112x128xf32, #tpu.memory_space<vmem_shared>> -> memref<10112x128xf32, #tpu.memory_space<vmem_shared>>
    tpu.wait_indirect_dma semaphore(%arg14 : memref<!tpu.dma_semaphore, #tpu.memory_space<semaphore_mem>>) src(%arg9 : memref<128x128xf32, #tpu.memory_space<vmem>>) dst(%dma_wait3A_58 : memref<10112x128xf32, #tpu.memory_space<vmem_shared>>)
    %dma_wait3A_59 = arith.constant 39 : i32
    %dma_wait3A_60 = arith.constant 0 : i32
    %dma_wait3A_61 = tpu.memref_slice %arg7[%dma_wait3A_59, %dma_wait3A_60] : memref<40x128xi32, #tpu.memory_space<vmem>> -> memref<1x128xi32, #tpu.memory_space<vmem>>
    %dma_wait3A_62 = tpu.memref_squeeze %dma_wait3A_61 : memref<1x128xi32, #tpu.memory_space<vmem>> -> memref<128xi32, #tpu.memory_space<vmem>>
    %dma_wait3A_63 = arith.constant 0 : i32
    %dma_wait3A_64 = arith.constant 0 : i32
    %dma_wait3A_65 = tpu.memref_slice %arg11[%dma_wait3A_63, %dma_wait3A_64] : memref<10112x128xf32, #tpu.memory_space<vmem_shared>> -> memref<10112x128xf32, #tpu.memory_space<vmem_shared>>
    tpu.wait_indirect_dma semaphore(%arg15 : memref<!tpu.dma_semaphore, #tpu.memory_space<semaphore_mem>>) src(%arg10 : memref<128x128xf32, #tpu.memory_space<vmem>>) dst(%dma_wait3A_65 : memref<10112x128xf32, #tpu.memory_space<vmem_shared>>)
    %run_scoped3A_66 = arith.constant 1 : i32
    "tpu.region"() ({
      %run_scoped3A_136 = tpu.sem_alloc : memref<!tpu.dma_semaphore, #tpu.memory_space<semaphore_mem>>
      %dma_start3A_137 = arith.constant 0 : i32
      %dma_start3A_138 = arith.constant 0 : i32
      %dma_start3A_139 = tpu.memref_slice %arg4[%arg1, %run_scoped3A_66, %dma_start3A_137, %dma_start3A_138] : memref<16x2x40x128xi32, #tpu.memory_space<hbm>> -> memref<1x1x40x128xi32, #tpu.memory_space<hbm>>
      %dma_start3A_140 = tpu.memref_squeeze %dma_start3A_139 : memref<1x1x40x128xi32, #tpu.memory_space<hbm>> -> memref<40x128xi32, #tpu.memory_space<hbm>>
      %dma_start3A_141 = arith.constant 0 : i32
      %dma_start3A_142 = arith.constant 0 : i32
      %dma_start3A_143 = tpu.memref_slice %arg4[%arg1, %run_scoped3A_66, %dma_start3A_141, %dma_start3A_142] : memref<16x2x40x128xi32, #tpu.memory_space<hbm>> -> memref<1x1x40x128xi32, #tpu.memory_space<hbm>>
      %dma_start3A_144 = tpu.memref_squeeze %dma_start3A_143 : memref<1x1x40x128xi32, #tpu.memory_space<hbm>> -> memref<40x128xi32, #tpu.memory_space<hbm>>
      tpu.enqueue_dma source(%dma_start3A_144 : memref<40x128xi32, #tpu.memory_space<hbm>>) target(%arg7 : memref<40x128xi32, #tpu.memory_space<vmem>>) target_semaphore(%run_scoped3A_136 : memref<!tpu.dma_semaphore, #tpu.memory_space<semaphore_mem>>)
      %dma_wait3A_145 = arith.constant 0 : i32
      %dma_wait3A_146 = arith.constant 0 : i32
      %dma_wait3A_147 = tpu.memref_slice %arg4[%arg1, %run_scoped3A_66, %dma_wait3A_145, %dma_wait3A_146] : memref<16x2x40x128xi32, #tpu.memory_space<hbm>> -> memref<1x1x40x128xi32, #tpu.memory_space<hbm>>
      %dma_wait3A_148 = tpu.memref_squeeze %dma_wait3A_147 : memref<1x1x40x128xi32, #tpu.memory_space<hbm>> -> memref<40x128xi32, #tpu.memory_space<hbm>>
      %dma_wait3A_149 = arith.constant 0 : i32
      %dma_wait3A_150 = arith.constant 0 : i32
      %dma_wait3A_151 = tpu.memref_slice %arg4[%arg1, %run_scoped3A_66, %dma_wait3A_149, %dma_wait3A_150] : memref<16x2x40x128xi32, #tpu.memory_space<hbm>> -> memref<1x1x40x128xi32, #tpu.memory_space<hbm>>
      %dma_wait3A_152 = tpu.memref_squeeze %dma_wait3A_151 : memref<1x1x40x128xi32, #tpu.memory_space<hbm>> -> memref<40x128xi32, #tpu.memory_space<hbm>>
      tpu.wait_dma2 semaphore(%run_scoped3A_136 : memref<!tpu.dma_semaphore, #tpu.memory_space<semaphore_mem>>) src(%dma_wait3A_152 : memref<40x128xi32, #tpu.memory_space<hbm>>) dst(%arg7 : memref<40x128xi32, #tpu.memory_space<vmem>>)
      tpu.yield
    }) : () -> ()
    %run_scoped3A_67 = arith.constant 1 : i32
    "tpu.region"() ({
      %run_scoped3A_136 = tpu.sem_alloc : memref<!tpu.dma_semaphore, #tpu.memory_space<semaphore_mem>>
      %dma_start3A_137 = arith.constant 0 : i32
      %dma_start3A_138 = arith.constant 0 : i32
      %dma_start3A_139 = tpu.memref_slice %arg3[%add3A_1, %arg1, %run_scoped3A_67, %dma_start3A_137, %dma_start3A_138] : memref<2x16x2x40x128xi32, #tpu.memory_space<hbm>> -> memref<1x1x1x40x128xi32, #tpu.memory_space<hbm>>
      %dma_start3A_140 = tpu.memref_squeeze %dma_start3A_139 : memref<1x1x1x40x128xi32, #tpu.memory_space<hbm>> -> memref<40x128xi32, #tpu.memory_space<hbm>>
      %dma_start3A_141 = arith.constant 0 : i32
      %dma_start3A_142 = arith.constant 0 : i32
      %dma_start3A_143 = tpu.memref_slice %arg3[%add3A_1, %arg1, %run_scoped3A_67, %dma_start3A_141, %dma_start3A_142] : memref<2x16x2x40x128xi32, #tpu.memory_space<hbm>> -> memref<1x1x1x40x128xi32, #tpu.memory_space<hbm>>
      %dma_start3A_144 = tpu.memref_squeeze %dma_start3A_143 : memref<1x1x1x40x128xi32, #tpu.memory_space<hbm>> -> memref<40x128xi32, #tpu.memory_space<hbm>>
      tpu.enqueue_dma source(%dma_start3A_144 : memref<40x128xi32, #tpu.memory_space<hbm>>) target(%arg8 : memref<40x128xi32, #tpu.memory_space<vmem>>) target_semaphore(%run_scoped3A_136 : memref<!tpu.dma_semaphore, #tpu.memory_space<semaphore_mem>>)
      %dma_wait3A_145 = arith.constant 0 : i32
      %dma_wait3A_146 = arith.constant 0 : i32
      %dma_wait3A_147 = tpu.memref_slice %arg3[%add3A_1, %arg1, %run_scoped3A_67, %dma_wait3A_145, %dma_wait3A_146] : memref<2x16x2x40x128xi32, #tpu.memory_space<hbm>> -> memref<1x1x1x40x128xi32, #tpu.memory_space<hbm>>
      %dma_wait3A_148 = tpu.memref_squeeze %dma_wait3A_147 : memref<1x1x1x40x128xi32, #tpu.memory_space<hbm>> -> memref<40x128xi32, #tpu.memory_space<hbm>>
      %dma_wait3A_149 = arith.constant 0 : i32
      %dma_wait3A_150 = arith.constant 0 : i32
      %dma_wait3A_151 = tpu.memref_slice %arg3[%add3A_1, %arg1, %run_scoped3A_67, %dma_wait3A_149, %dma_wait3A_150] : memref<2x16x2x40x128xi32, #tpu.memory_space<hbm>> -> memref<1x1x1x40x128xi32, #tpu.memory_space<hbm>>
      %dma_wait3A_152 = tpu.memref_squeeze %dma_wait3A_151 : memref<1x1x1x40x128xi32, #tpu.memory_space<hbm>> -> memref<40x128xi32, #tpu.memory_space<hbm>>
      tpu.wait_dma2 semaphore(%run_scoped3A_136 : memref<!tpu.dma_semaphore, #tpu.memory_space<semaphore_mem>>) src(%dma_wait3A_152 : memref<40x128xi32, #tpu.memory_space<hbm>>) dst(%arg8 : memref<40x128xi32, #tpu.memory_space<vmem>>)
      tpu.yield
    }) : () -> ()
    %dma_start3A_68 = arith.constant 0 : i32
    %dma_start3A_69 = arith.constant 0 : i32
    %dma_start3A_70 = tpu.memref_slice %arg8[%dma_start3A_68, %dma_start3A_69] : memref<40x128xi32, #tpu.memory_space<vmem>> -> memref<1x128xi32, #tpu.memory_space<vmem>>
    %dma_start3A_71 = tpu.memref_squeeze %dma_start3A_70 : memref<1x128xi32, #tpu.memory_space<vmem>> -> memref<128xi32, #tpu.memory_space<vmem>>
    %dma_start3A_72 = arith.constant 0 : i32
    %dma_start3A_73 = arith.constant 0 : i32
    %dma_start3A_74 = tpu.memref_slice %arg2[%dma_start3A_72, %dma_start3A_73] : memref<20008x128xf32, #tpu.memory_space<hbm>> -> memref<20008x128xf32, #tpu.memory_space<hbm>>
    tpu.enqueue_indirect_dma source(%dma_start3A_74 : memref<20008x128xf32, #tpu.memory_space<hbm>>) target(%arg9 : memref<128x128xf32, #tpu.memory_space<vmem>>) offsets(%dma_start3A_71 : memref<128xi32, #tpu.memory_space<vmem>>) semaphore(%arg12 : memref<!tpu.dma_semaphore, #tpu.memory_space<semaphore_mem>>)
    %dma_start3A_75 = arith.constant 1 : i32
    %dma_start3A_76 = arith.constant 0 : i32
    %dma_start3A_77 = tpu.memref_slice %arg8[%dma_start3A_75, %dma_start3A_76] : memref<40x128xi32, #tpu.memory_space<vmem>> -> memref<1x128xi32, #tpu.memory_space<vmem>>
    %dma_start3A_78 = tpu.memref_squeeze %dma_start3A_77 : memref<1x128xi32, #tpu.memory_space<vmem>> -> memref<128xi32, #tpu.memory_space<vmem>>
    %dma_start3A_79 = arith.constant 0 : i32
    %dma_start3A_80 = arith.constant 0 : i32
    %dma_start3A_81 = tpu.memref_slice %arg2[%dma_start3A_79, %dma_start3A_80] : memref<20008x128xf32, #tpu.memory_space<hbm>> -> memref<20008x128xf32, #tpu.memory_space<hbm>>
    tpu.enqueue_indirect_dma source(%dma_start3A_81 : memref<20008x128xf32, #tpu.memory_space<hbm>>) target(%arg10 : memref<128x128xf32, #tpu.memory_space<vmem>>) offsets(%dma_start3A_78 : memref<128xi32, #tpu.memory_space<vmem>>) semaphore(%arg13 : memref<!tpu.dma_semaphore, #tpu.memory_space<semaphore_mem>>)
    %scan3A_82 = arith.constant 0 : i32
    %scan3A_83 = arith.constant 0 : i32
    %scan3A_84 = arith.constant 19 : i32
    %scan3A_85 = arith.addi %scan3A_83, %scan3A_84 : i32
    %scan3A_86 = arith.constant 1 : i32
    scf.for %scan3A_136 = %scan3A_83 to %scan3A_85 step %scan3A_86  : i32 {
      %mul3A_137 = arith.constant 2 : i32
      %mul3A_138 = arith.muli %mul3A_137, %scan3A_136 : i32
      %add3A_139 = arith.constant 1 : i32
      %add3A_140 = arith.addi %mul3A_138, %add3A_139 : i32
      %dma_wait3A_141 = arith.constant 0 : i32
      %dma_wait3A_142 = tpu.memref_slice %arg8[%mul3A_138, %dma_wait3A_141] : memref<40x128xi32, #tpu.memory_space<vmem>> -> memref<1x128xi32, #tpu.memory_space<vmem>>
      %dma_wait3A_143 = tpu.memref_squeeze %dma_wait3A_142 : memref<1x128xi32, #tpu.memory_space<vmem>> -> memref<128xi32, #tpu.memory_space<vmem>>
      %dma_wait3A_144 = arith.constant 0 : i32
      %dma_wait3A_145 = arith.constant 0 : i32
      %dma_wait3A_146 = tpu.memref_slice %arg2[%dma_wait3A_144, %dma_wait3A_145] : memref<20008x128xf32, #tpu.memory_space<hbm>> -> memref<20008x128xf32, #tpu.memory_space<hbm>>
      tpu.wait_indirect_dma semaphore(%arg12 : memref<!tpu.dma_semaphore, #tpu.memory_space<semaphore_mem>>) src(%dma_wait3A_146 : memref<20008x128xf32, #tpu.memory_space<hbm>>) dst(%arg9 : memref<128x128xf32, #tpu.memory_space<vmem>>)
      %dma_start3A_147 = arith.constant 0 : i32
      %dma_start3A_148 = tpu.memref_slice %arg7[%mul3A_138, %dma_start3A_147] : memref<40x128xi32, #tpu.memory_space<vmem>> -> memref<1x128xi32, #tpu.memory_space<vmem>>
      %dma_start3A_149 = tpu.memref_squeeze %dma_start3A_148 : memref<1x128xi32, #tpu.memory_space<vmem>> -> memref<128xi32, #tpu.memory_space<vmem>>
      %dma_start3A_150 = arith.constant 0 : i32
      %dma_start3A_151 = arith.constant 0 : i32
      %dma_start3A_152 = tpu.memref_slice %arg11[%dma_start3A_150, %dma_start3A_151] : memref<10112x128xf32, #tpu.memory_space<vmem_shared>> -> memref<10112x128xf32, #tpu.memory_space<vmem_shared>>
      tpu.enqueue_indirect_dma source(%arg9 : memref<128x128xf32, #tpu.memory_space<vmem>>) target(%dma_start3A_152 : memref<10112x128xf32, #tpu.memory_space<vmem_shared>>) offsets(%dma_start3A_149 : memref<128xi32, #tpu.memory_space<vmem>>) semaphore(%arg14 : memref<!tpu.dma_semaphore, #tpu.memory_space<semaphore_mem>>) {add = true}
      %dma_wait3A_153 = arith.constant 0 : i32
      %dma_wait3A_154 = tpu.memref_slice %arg8[%add3A_140, %dma_wait3A_153] : memref<40x128xi32, #tpu.memory_space<vmem>> -> memref<1x128xi32, #tpu.memory_space<vmem>>
      %dma_wait3A_155 = tpu.memref_squeeze %dma_wait3A_154 : memref<1x128xi32, #tpu.memory_space<vmem>> -> memref<128xi32, #tpu.memory_space<vmem>>
      %dma_wait3A_156 = arith.constant 0 : i32
      %dma_wait3A_157 = arith.constant 0 : i32
      %dma_wait3A_158 = tpu.memref_slice %arg2[%dma_wait3A_156, %dma_wait3A_157] : memref<20008x128xf32, #tpu.memory_space<hbm>> -> memref<20008x128xf32, #tpu.memory_space<hbm>>
      tpu.wait_indirect_dma semaphore(%arg13 : memref<!tpu.dma_semaphore, #tpu.memory_space<semaphore_mem>>) src(%dma_wait3A_158 : memref<20008x128xf32, #tpu.memory_space<hbm>>) dst(%arg10 : memref<128x128xf32, #tpu.memory_space<vmem>>)
      %dma_start3A_159 = arith.constant 0 : i32
      %dma_start3A_160 = tpu.memref_slice %arg7[%add3A_140, %dma_start3A_159] : memref<40x128xi32, #tpu.memory_space<vmem>> -> memref<1x128xi32, #tpu.memory_space<vmem>>
      %dma_start3A_161 = tpu.memref_squeeze %dma_start3A_160 : memref<1x128xi32, #tpu.memory_space<vmem>> -> memref<128xi32, #tpu.memory_space<vmem>>
      %dma_start3A_162 = arith.constant 0 : i32
      %dma_start3A_163 = arith.constant 0 : i32
      %dma_start3A_164 = tpu.memref_slice %arg11[%dma_start3A_162, %dma_start3A_163] : memref<10112x128xf32, #tpu.memory_space<vmem_shared>> -> memref<10112x128xf32, #tpu.memory_space<vmem_shared>>
      tpu.enqueue_indirect_dma source(%arg10 : memref<128x128xf32, #tpu.memory_space<vmem>>) target(%dma_start3A_164 : memref<10112x128xf32, #tpu.memory_space<vmem_shared>>) offsets(%dma_start3A_161 : memref<128xi32, #tpu.memory_space<vmem>>) semaphore(%arg15 : memref<!tpu.dma_semaphore, #tpu.memory_space<semaphore_mem>>) {add = true}
      %dma_wait3A_165 = arith.constant 0 : i32
      %dma_wait3A_166 = tpu.memref_slice %arg7[%mul3A_138, %dma_wait3A_165] : memref<40x128xi32, #tpu.memory_space<vmem>> -> memref<1x128xi32, #tpu.memory_space<vmem>>
      %dma_wait3A_167 = tpu.memref_squeeze %dma_wait3A_166 : memref<1x128xi32, #tpu.memory_space<vmem>> -> memref<128xi32, #tpu.memory_space<vmem>>
      %dma_wait3A_168 = arith.constant 0 : i32
      %dma_wait3A_169 = arith.constant 0 : i32
      %dma_wait3A_170 = tpu.memref_slice %arg11[%dma_wait3A_168, %dma_wait3A_169] : memref<10112x128xf32, #tpu.memory_space<vmem_shared>> -> memref<10112x128xf32, #tpu.memory_space<vmem_shared>>
      tpu.wait_indirect_dma semaphore(%arg14 : memref<!tpu.dma_semaphore, #tpu.memory_space<semaphore_mem>>) src(%arg9 : memref<128x128xf32, #tpu.memory_space<vmem>>) dst(%dma_wait3A_170 : memref<10112x128xf32, #tpu.memory_space<vmem_shared>>)
      %add3A_171 = arith.constant 2 : i32
      %add3A_172 = arith.addi %mul3A_138, %add3A_171 : i32
      %dma_start3A_173 = arith.constant 0 : i32
      %dma_start3A_174 = tpu.memref_slice %arg8[%add3A_172, %dma_start3A_173] : memref<40x128xi32, #tpu.memory_space<vmem>> -> memref<1x128xi32, #tpu.memory_space<vmem>>
      %dma_start3A_175 = tpu.memref_squeeze %dma_start3A_174 : memref<1x128xi32, #tpu.memory_space<vmem>> -> memref<128xi32, #tpu.memory_space<vmem>>
      %dma_start3A_176 = arith.constant 0 : i32
      %dma_start3A_177 = arith.constant 0 : i32
      %dma_start3A_178 = tpu.memref_slice %arg2[%dma_start3A_176, %dma_start3A_177] : memref<20008x128xf32, #tpu.memory_space<hbm>> -> memref<20008x128xf32, #tpu.memory_space<hbm>>
      tpu.enqueue_indirect_dma source(%dma_start3A_178 : memref<20008x128xf32, #tpu.memory_space<hbm>>) target(%arg9 : memref<128x128xf32, #tpu.memory_space<vmem>>) offsets(%dma_start3A_175 : memref<128xi32, #tpu.memory_space<vmem>>) semaphore(%arg12 : memref<!tpu.dma_semaphore, #tpu.memory_space<semaphore_mem>>)
      %dma_wait3A_179 = arith.constant 0 : i32
      %dma_wait3A_180 = tpu.memref_slice %arg7[%add3A_140, %dma_wait3A_179] : memref<40x128xi32, #tpu.memory_space<vmem>> -> memref<1x128xi32, #tpu.memory_space<vmem>>
      %dma_wait3A_181 = tpu.memref_squeeze %dma_wait3A_180 : memref<1x128xi32, #tpu.memory_space<vmem>> -> memref<128xi32, #tpu.memory_space<vmem>>
      %dma_wait3A_182 = arith.constant 0 : i32
      %dma_wait3A_183 = arith.constant 0 : i32
      %dma_wait3A_184 = tpu.memref_slice %arg11[%dma_wait3A_182, %dma_wait3A_183] : memref<10112x128xf32, #tpu.memory_space<vmem_shared>> -> memref<10112x128xf32, #tpu.memory_space<vmem_shared>>
      tpu.wait_indirect_dma semaphore(%arg15 : memref<!tpu.dma_semaphore, #tpu.memory_space<semaphore_mem>>) src(%arg10 : memref<128x128xf32, #tpu.memory_space<vmem>>) dst(%dma_wait3A_184 : memref<10112x128xf32, #tpu.memory_space<vmem_shared>>)
      %add3A_185 = arith.constant 2 : i32
      %add3A_186 = arith.addi %add3A_140, %add3A_185 : i32
      %dma_start3A_187 = arith.constant 0 : i32
      %dma_start3A_188 = tpu.memref_slice %arg8[%add3A_186, %dma_start3A_187] : memref<40x128xi32, #tpu.memory_space<vmem>> -> memref<1x128xi32, #tpu.memory_space<vmem>>
      %dma_start3A_189 = tpu.memref_squeeze %dma_start3A_188 : memref<1x128xi32, #tpu.memory_space<vmem>> -> memref<128xi32, #tpu.memory_space<vmem>>
      %dma_start3A_190 = arith.constant 0 : i32
      %dma_start3A_191 = arith.constant 0 : i32
      %dma_start3A_192 = tpu.memref_slice %arg2[%dma_start3A_190, %dma_start3A_191] : memref<20008x128xf32, #tpu.memory_space<hbm>> -> memref<20008x128xf32, #tpu.memory_space<hbm>>
      tpu.enqueue_indirect_dma source(%dma_start3A_192 : memref<20008x128xf32, #tpu.memory_space<hbm>>) target(%arg10 : memref<128x128xf32, #tpu.memory_space<vmem>>) offsets(%dma_start3A_189 : memref<128xi32, #tpu.memory_space<vmem>>) semaphore(%arg13 : memref<!tpu.dma_semaphore, #tpu.memory_space<semaphore_mem>>)
    }
    %scan3A_87 = arith.constant 19 : i32
    %dma_wait3A_88 = arith.constant 38 : i32
    %dma_wait3A_89 = arith.constant 0 : i32
    %dma_wait3A_90 = tpu.memref_slice %arg8[%dma_wait3A_88, %dma_wait3A_89] : memref<40x128xi32, #tpu.memory_space<vmem>> -> memref<1x128xi32, #tpu.memory_space<vmem>>
    %dma_wait3A_91 = tpu.memref_squeeze %dma_wait3A_90 : memref<1x128xi32, #tpu.memory_space<vmem>> -> memref<128xi32, #tpu.memory_space<vmem>>
    %dma_wait3A_92 = arith.constant 0 : i32
    %dma_wait3A_93 = arith.constant 0 : i32
    %dma_wait3A_94 = tpu.memref_slice %arg2[%dma_wait3A_92, %dma_wait3A_93] : memref<20008x128xf32, #tpu.memory_space<hbm>> -> memref<20008x128xf32, #tpu.memory_space<hbm>>
    tpu.wait_indirect_dma semaphore(%arg12 : memref<!tpu.dma_semaphore, #tpu.memory_space<semaphore_mem>>) src(%dma_wait3A_94 : memref<20008x128xf32, #tpu.memory_space<hbm>>) dst(%arg9 : memref<128x128xf32, #tpu.memory_space<vmem>>)
    %dma_start3A_95 = arith.constant 38 : i32
    %dma_start3A_96 = arith.constant 0 : i32
    %dma_start3A_97 = tpu.memref_slice %arg7[%dma_start3A_95, %dma_start3A_96] : memref<40x128xi32, #tpu.memory_space<vmem>> -> memref<1x128xi32, #tpu.memory_space<vmem>>
    %dma_start3A_98 = tpu.memref_squeeze %dma_start3A_97 : memref<1x128xi32, #tpu.memory_space<vmem>> -> memref<128xi32, #tpu.memory_space<vmem>>
    %dma_start3A_99 = arith.constant 0 : i32
    %dma_start3A_100 = arith.constant 0 : i32
    %dma_start3A_101 = tpu.memref_slice %arg11[%dma_start3A_99, %dma_start3A_100] : memref<10112x128xf32, #tpu.memory_space<vmem_shared>> -> memref<10112x128xf32, #tpu.memory_space<vmem_shared>>
    tpu.enqueue_indirect_dma source(%arg9 : memref<128x128xf32, #tpu.memory_space<vmem>>) target(%dma_start3A_101 : memref<10112x128xf32, #tpu.memory_space<vmem_shared>>) offsets(%dma_start3A_98 : memref<128xi32, #tpu.memory_space<vmem>>) semaphore(%arg14 : memref<!tpu.dma_semaphore, #tpu.memory_space<semaphore_mem>>) {add = true}
    %dma_wait3A_102 = arith.constant 39 : i32
    %dma_wait3A_103 = arith.constant 0 : i32
    %dma_wait3A_104 = tpu.memref_slice %arg8[%dma_wait3A_102, %dma_wait3A_103] : memref<40x128xi32, #tpu.memory_space<vmem>> -> memref<1x128xi32, #tpu.memory_space<vmem>>
    %dma_wait3A_105 = tpu.memref_squeeze %dma_wait3A_104 : memref<1x128xi32, #tpu.memory_space<vmem>> -> memref<128xi32, #tpu.memory_space<vmem>>
    %dma_wait3A_106 = arith.constant 0 : i32
    %dma_wait3A_107 = arith.constant 0 : i32
    %dma_wait3A_108 = tpu.memref_slice %arg2[%dma_wait3A_106, %dma_wait3A_107] : memref<20008x128xf32, #tpu.memory_space<hbm>> -> memref<20008x128xf32, #tpu.memory_space<hbm>>
    tpu.wait_indirect_dma semaphore(%arg13 : memref<!tpu.dma_semaphore, #tpu.memory_space<semaphore_mem>>) src(%dma_wait3A_108 : memref<20008x128xf32, #tpu.memory_space<hbm>>) dst(%arg10 : memref<128x128xf32, #tpu.memory_space<vmem>>)
    %dma_start3A_109 = arith.constant 39 : i32
    %dma_start3A_110 = arith.constant 0 : i32
    %dma_start3A_111 = tpu.memref_slice %arg7[%dma_start3A_109, %dma_start3A_110] : memref<40x128xi32, #tpu.memory_space<vmem>> -> memref<1x128xi32, #tpu.memory_space<vmem>>
    %dma_start3A_112 = tpu.memref_squeeze %dma_start3A_111 : memref<1x128xi32, #tpu.memory_space<vmem>> -> memref<128xi32, #tpu.memory_space<vmem>>
    %dma_start3A_113 = arith.constant 0 : i32
    %dma_start3A_114 = arith.constant 0 : i32
    %dma_start3A_115 = tpu.memref_slice %arg11[%dma_start3A_113, %dma_start3A_114] : memref<10112x128xf32, #tpu.memory_space<vmem_shared>> -> memref<10112x128xf32, #tpu.memory_space<vmem_shared>>
    tpu.enqueue_indirect_dma source(%arg10 : memref<128x128xf32, #tpu.memory_space<vmem>>) target(%dma_start3A_115 : memref<10112x128xf32, #tpu.memory_space<vmem_shared>>) offsets(%dma_start3A_112 : memref<128xi32, #tpu.memory_space<vmem>>) semaphore(%arg15 : memref<!tpu.dma_semaphore, #tpu.memory_space<semaphore_mem>>) {add = true}
    %dma_wait3A_116 = arith.constant 38 : i32
    %dma_wait3A_117 = arith.constant 0 : i32
    %dma_wait3A_118 = tpu.memref_slice %arg7[%dma_wait3A_116, %dma_wait3A_117] : memref<40x128xi32, #tpu.memory_space<vmem>> -> memref<1x128xi32, #tpu.memory_space<vmem>>
    %dma_wait3A_119 = tpu.memref_squeeze %dma_wait3A_118 : memref<1x128xi32, #tpu.memory_space<vmem>> -> memref<128xi32, #tpu.memory_space<vmem>>
    %dma_wait3A_120 = arith.constant 0 : i32
    %dma_wait3A_121 = arith.constant 0 : i32
    %dma_wait3A_122 = tpu.memref_slice %arg11[%dma_wait3A_120, %dma_wait3A_121] : memref<10112x128xf32, #tpu.memory_space<vmem_shared>> -> memref<10112x128xf32, #tpu.memory_space<vmem_shared>>
    tpu.wait_indirect_dma semaphore(%arg14 : memref<!tpu.dma_semaphore, #tpu.memory_space<semaphore_mem>>) src(%arg9 : memref<128x128xf32, #tpu.memory_space<vmem>>) dst(%dma_wait3A_122 : memref<10112x128xf32, #tpu.memory_space<vmem_shared>>)
    %dma_wait3A_123 = arith.constant 39 : i32
    %dma_wait3A_124 = arith.constant 0 : i32
    %dma_wait3A_125 = tpu.memref_slice %arg7[%dma_wait3A_123, %dma_wait3A_124] : memref<40x128xi32, #tpu.memory_space<vmem>> -> memref<1x128xi32, #tpu.memory_space<vmem>>
    %dma_wait3A_126 = tpu.memref_squeeze %dma_wait3A_125 : memref<1x128xi32, #tpu.memory_space<vmem>> -> memref<128xi32, #tpu.memory_space<vmem>>
    %dma_wait3A_127 = arith.constant 0 : i32
    %dma_wait3A_128 = arith.constant 0 : i32
    %dma_wait3A_129 = tpu.memref_slice %arg11[%dma_wait3A_127, %dma_wait3A_128] : memref<10112x128xf32, #tpu.memory_space<vmem_shared>> -> memref<10112x128xf32, #tpu.memory_space<vmem_shared>>
    tpu.wait_indirect_dma semaphore(%arg15 : memref<!tpu.dma_semaphore, #tpu.memory_space<semaphore_mem>>) src(%arg10 : memref<128x128xf32, #tpu.memory_space<vmem>>) dst(%dma_wait3A_129 : memref<10112x128xf32, #tpu.memory_space<vmem_shared>>)
    %barrier3A_130 = arith.constant 0 : index
    tpu.barrier barrier_id(%barrier3A_130)
    %mul3A_131 = arith.constant 632 : i32
    %mul3A_132 = arith.muli %arg1, %mul3A_131 : i32
    %mul3A_133 = arith.constant 632 : i32
    %mul3A_134 = arith.muli %arg1, %mul3A_133 : i32
    "tpu.region"() ({
      %run_scoped3A_136 = tpu.sem_alloc : memref<!tpu.dma_semaphore, #tpu.memory_space<semaphore_mem>>
      %dma_start3A_137 = arith.constant 0 : i32
      %dma_start3A_138 = tpu.memref_slice %arg6[%add3A_1, %mul3A_134, %dma_start3A_137] : memref<2x10112x128xf32, #tpu.memory_space<hbm>> -> memref<1x632x128xf32, #tpu.memory_space<hbm>>
      %dma_start3A_139 = tpu.memref_squeeze %dma_start3A_138 : memref<1x632x128xf32, #tpu.memory_space<hbm>> -> memref<632x128xf32, #tpu.memory_space<hbm>>
      %dma_start3A_140 = arith.constant 0 : i32
      %dma_start3A_141 = tpu.memref_slice %arg11[%mul3A_132, %dma_start3A_140] : memref<10112x128xf32, #tpu.memory_space<vmem_shared>> -> memref<632x128xf32, #tpu.memory_space<vmem_shared>>
      tpu.enqueue_dma source(%dma_start3A_141 : memref<632x128xf32, #tpu.memory_space<vmem_shared>>) target(%dma_start3A_139 : memref<632x128xf32, #tpu.memory_space<hbm>>) target_semaphore(%run_scoped3A_136 : memref<!tpu.dma_semaphore, #tpu.memory_space<semaphore_mem>>)
      %dma_wait3A_142 = arith.constant 0 : i32
      %dma_wait3A_143 = tpu.memref_slice %arg6[%add3A_1, %mul3A_134, %dma_wait3A_142] : memref<2x10112x128xf32, #tpu.memory_space<hbm>> -> memref<1x632x128xf32, #tpu.memory_space<hbm>>
      %dma_wait3A_144 = tpu.memref_squeeze %dma_wait3A_143 : memref<1x632x128xf32, #tpu.memory_space<hbm>> -> memref<632x128xf32, #tpu.memory_space<hbm>>
      %dma_wait3A_145 = arith.constant 0 : i32
      %dma_wait3A_146 = tpu.memref_slice %arg11[%mul3A_132, %dma_wait3A_145] : memref<10112x128xf32, #tpu.memory_space<vmem_shared>> -> memref<632x128xf32, #tpu.memory_space<vmem_shared>>
      tpu.wait_dma2 semaphore(%run_scoped3A_136 : memref<!tpu.dma_semaphore, #tpu.memory_space<semaphore_mem>>) src(%dma_wait3A_146 : memref<632x128xf32, #tpu.memory_space<vmem_shared>>) dst(%dma_wait3A_144 : memref<632x128xf32, #tpu.memory_space<hbm>>)
      tpu.yield
    }) : () -> ()
    %barrier3A_135 = arith.constant 0 : index
    tpu.barrier barrier_id(%barrier3A_135)
    return
  }
}

module attributes {stable_mosaic.version = 14 : i64} {
  func.func @body(%arg0: i32, %arg1: memref<1000x256xf32, #tpu.memory_space<vmem>>, %arg2: memref<2x1000x128xf32, #tpu.memory_space<vmem>>, %arg3: memref<256x512xf32, #tpu.memory_space<vmem>>, %arg4: memref<1x512xf32, #tpu.memory_space<vmem>>, %arg5: memref<512x256xf32, #tpu.memory_space<vmem>>, %arg6: memref<1000x256xf32, #tpu.memory_space<vmem>>, %arg7: memref<2x1000x128xf32, #tpu.memory_space<vmem>>) attributes {dimension_semantics = [#tpu.dimension_semantics<arbitrary>], iteration_bounds = array<i64: 10>, scalar_prefetch = 0 : i64, scratch_operands = 0 : i64, tpu.core_type = #tpu.core_type<tc>, window_params = [{transform_indices = @transform_0, window_bounds = array<i64: 1000, 256>}, {transform_indices = @transform_1, window_bounds = array<i64: 2, 1000, 128>}, {pipeline_mode = #tpu.pipeline_mode<synchronous>, transform_indices = @transform_2, window_bounds = array<i64: 256, 512>}, {pipeline_mode = #tpu.pipeline_mode<synchronous>, transform_indices = @transform_3, window_bounds = array<i64: 1, 512>}, {pipeline_mode = #tpu.pipeline_mode<synchronous>, transform_indices = @transform_4, window_bounds = array<i64: 512, 256>}, {transform_indices = @transform_5, window_bounds = array<i64: 1000, 256>}, {transform_indices = @transform_6, window_bounds = array<i64: 2, 1000, 128>}]} {
    %get3A = arith.constant 0 : index
    %get3A_0 = arith.constant 0 : index
    %get3A_1 = arith.constant 0 : index
    %get3A_2 = vector.load %arg2[%get3A, %get3A_0, %get3A_1] : memref<2x1000x128xf32, #tpu.memory_space<vmem>>, vector<2x1000x128xf32>
    %slice3A = vector.extract_strided_slice %get3A_2 {offsets = [0, 0, 0], sizes = [1, 1000, 128], strides = [1, 1, 1]} : vector<2x1000x128xf32> to vector<1x1000x128xf32>
    %squeeze3A = vector.shape_cast %slice3A : vector<1x1000x128xf32> to vector<1000x128xf32>
    %slice3A_3 = vector.extract_strided_slice %get3A_2 {offsets = [1, 0, 0], sizes = [1, 1000, 128], strides = [1, 1, 1]} : vector<2x1000x128xf32> to vector<1x1000x128xf32>
    %squeeze3A_4 = vector.shape_cast %slice3A_3 : vector<1x1000x128xf32> to vector<1000x128xf32>
    %concatenate3A = tpu.concatenate %squeeze3A, %squeeze3A_4 in 1 : vector<1000x128xf32>, vector<1000x128xf32> -> vector<1000x256xf32>
    %get3A_5 = arith.constant 0 : index
    %get3A_6 = arith.constant 0 : index
    %get3A_7 = vector.load %arg1[%get3A_5, %get3A_6] : memref<1000x256xf32, #tpu.memory_space<vmem>>, vector<1000x256xf32>
    %add3A = arith.addf %get3A_7, %concatenate3A : vector<1000x256xf32>
    %get3A_8 = arith.constant 0 : index
    %get3A_9 = arith.constant 0 : index
    %get3A_10 = vector.load %arg3[%get3A_8, %get3A_9] : memref<256x512xf32, #tpu.memory_space<vmem>>, vector<256x512xf32>
    %dot_general3A = arith.constant dense<0.000000e+00> : vector<1000x512xf32>
    %dot_general3A_11 = tpu.matmul %add3A, %get3A_10, %dot_general3A {dimension_numbers = #tpu.dot_dimension_numbers<[1], [0], [0], [1], [0, 0, 1, 1], [], []>, transpose_lhs_hint = false} : vector<1000x256xf32>, vector<256x512xf32>, vector<1000x512xf32> -> vector<1000x512xf32>
    %get3A_12 = arith.constant 0 : index
    %get3A_13 = arith.constant 0 : index
    %get3A_14 = vector.load %arg4[%get3A_12, %get3A_13] : memref<1x512xf32, #tpu.memory_space<vmem>>, vector<1x512xf32>
    %add3A_15 = vector.broadcast %get3A_14 : vector<1x512xf32> to vector<1000x512xf32>
    %add3A_16 = arith.addf %dot_general3A_11, %add3A_15 : vector<1000x512xf32>
    %max3A = arith.constant 0.000000e+00 : f32
    %max3A_17 = vector.broadcast %max3A : f32 to vector<1000x512xf32>
    %max3A_18 = arith.maximumf %add3A_16, %max3A_17 : vector<1000x512xf32>
    %get3A_19 = arith.constant 0 : index
    %get3A_20 = arith.constant 0 : index
    %get3A_21 = vector.load %arg5[%get3A_19, %get3A_20] : memref<512x256xf32, #tpu.memory_space<vmem>>, vector<512x256xf32>
    %dot_general3A_22 = arith.constant dense<0.000000e+00> : vector<1000x256xf32>
    %dot_general3A_23 = tpu.matmul %max3A_18, %get3A_21, %dot_general3A_22 {dimension_numbers = #tpu.dot_dimension_numbers<[1], [0], [0], [1], [0, 0, 1, 1], [], []>, transpose_lhs_hint = false} : vector<1000x512xf32>, vector<512x256xf32>, vector<1000x256xf32> -> vector<1000x256xf32>
    %swap3A = arith.constant 0 : index
    %swap3A_24 = arith.constant 0 : index
    %swap3A_25 = vector.load %arg6[%swap3A, %swap3A_24] : memref<1000x256xf32, #tpu.memory_space<vmem>>, vector<1000x256xf32>
    tpu.vector_store %arg6[%swap3A, %swap3A_24], %dot_general3A_23 {strides = array<i32>} : memref<1000x256xf32, #tpu.memory_space<vmem>>, vector<1000x256xf32>,
    %slice3A_26 = vector.extract_strided_slice %dot_general3A_23 {offsets = [0, 0], sizes = [1000, 128], strides = [1, 1]} : vector<1000x256xf32> to vector<1000x128xf32>
    %slice3A_27 = vector.extract_strided_slice %dot_general3A_23 {offsets = [0, 128], sizes = [1000, 128], strides = [1, 1]} : vector<1000x256xf32> to vector<1000x128xf32>
    %stack3A = vector.shape_cast %slice3A_26 : vector<1000x128xf32> to vector<1x1000x128xf32>
    %stack3A_28 = vector.shape_cast %slice3A_27 : vector<1000x128xf32> to vector<1x1000x128xf32>
    %stack3A_29 = tpu.concatenate %stack3A, %stack3A_28 in 0 : vector<1x1000x128xf32>, vector<1x1000x128xf32> -> vector<2x1000x128xf32>
    %swap3A_30 = arith.constant 0 : index
    %swap3A_31 = arith.constant 0 : index
    %swap3A_32 = arith.constant 0 : index
    %swap3A_33 = vector.load %arg7[%swap3A_30, %swap3A_31, %swap3A_32] : memref<2x1000x128xf32, #tpu.memory_space<vmem>>, vector<2x1000x128xf32>
    tpu.vector_store %arg7[%swap3A_30, %swap3A_31, %swap3A_32], %stack3A_29 {strides = array<i32>} : memref<2x1000x128xf32, #tpu.memory_space<vmem>>, vector<2x1000x128xf32>,
    return
  }
  func.func @transform_0(%arg0: i32) -> (i32, i32) {
    %c0_i32 = arith.constant 0 : i32
    %c0_i32_0 = arith.constant 0 : i32
    return %arg0, %c0_i32 : i32, i32
  }
  func.func @transform_1(%arg0: i32) -> (i32, i32, i32) {
    %c0_i32 = arith.constant 0 : i32
    %c0_i32_0 = arith.constant 0 : i32
    %c0_i32_1 = arith.constant 0 : i32
    return %c0_i32, %arg0, %c0_i32_0 : i32, i32, i32
  }
  func.func @transform_2(%arg0: i32) -> (i32, i32) {
    %c0_i32 = arith.constant 0 : i32
    %c0_i32_0 = arith.constant 0 : i32
    %c0_i32_1 = arith.constant 0 : i32
    return %c0_i32, %c0_i32_0 : i32, i32
  }
  func.func @transform_3(%arg0: i32) -> (i32, i32) {
    %c0_i32 = arith.constant 0 : i32
    %c0_i32_0 = arith.constant 0 : i32
    %c0_i32_1 = arith.constant 0 : i32
    return %c0_i32, %c0_i32_0 : i32, i32
  }
  func.func @transform_4(%arg0: i32) -> (i32, i32) {
    %c0_i32 = arith.constant 0 : i32
    %c0_i32_0 = arith.constant 0 : i32
    %c0_i32_1 = arith.constant 0 : i32
    return %c0_i32, %c0_i32_0 : i32, i32
  }
  func.func @transform_5(%arg0: i32) -> (i32, i32) {
    %c0_i32 = arith.constant 0 : i32
    %c0_i32_0 = arith.constant 0 : i32
    return %arg0, %c0_i32 : i32, i32
  }
  func.func @transform_6(%arg0: i32) -> (i32, i32, i32) {
    %c0_i32 = arith.constant 0 : i32
    %c0_i32_0 = arith.constant 0 : i32
    %c0_i32_1 = arith.constant 0 : i32
    return %c0_i32, %arg0, %c0_i32_0 : i32, i32, i32
  }
}

module attributes {stable_mosaic.version = 14 : i64} {
  func.func @body(%arg0: i32, %arg1: memref<1000x256xf32, #tpu.memory_space<vmem>>, %arg2: memref<2x1000x128xf32, #tpu.memory_space<vmem>>, %arg3: memref<1x256xf32, #tpu.memory_space<vmem>>, %arg4: memref<1000x256xf32, #tpu.memory_space<vmem>>) attributes {dimension_semantics = [#tpu.dimension_semantics<arbitrary>], iteration_bounds = array<i64: 10>, scalar_prefetch = 0 : i64, scratch_operands = 0 : i64, tpu.core_type = #tpu.core_type<tc>, window_params = [{transform_indices = @transform_0, window_bounds = array<i64: 1000, 256>}, {transform_indices = @transform_1, window_bounds = array<i64: 2, 1000, 128>}, {pipeline_mode = #tpu.pipeline_mode<synchronous>, transform_indices = @transform_2, window_bounds = array<i64: 1, 256>}, {transform_indices = @transform_3, window_bounds = array<i64: 1000, 256>}]} {
    %get3A = arith.constant 0 : index
    %get3A_0 = arith.constant 0 : index
    %get3A_1 = arith.constant 0 : index
    %get3A_2 = vector.load %arg2[%get3A, %get3A_0, %get3A_1] : memref<2x1000x128xf32, #tpu.memory_space<vmem>>, vector<2x1000x128xf32>
    %slice3A = vector.extract_strided_slice %get3A_2 {offsets = [0, 0, 0], sizes = [1, 1000, 128], strides = [1, 1, 1]} : vector<2x1000x128xf32> to vector<1x1000x128xf32>
    %squeeze3A = vector.shape_cast %slice3A : vector<1x1000x128xf32> to vector<1000x128xf32>
    %slice3A_3 = vector.extract_strided_slice %get3A_2 {offsets = [1, 0, 0], sizes = [1, 1000, 128], strides = [1, 1, 1]} : vector<2x1000x128xf32> to vector<1x1000x128xf32>
    %squeeze3A_4 = vector.shape_cast %slice3A_3 : vector<1x1000x128xf32> to vector<1000x128xf32>
    %concatenate3A = tpu.concatenate %squeeze3A, %squeeze3A_4 in 1 : vector<1000x128xf32>, vector<1000x128xf32> -> vector<1000x256xf32>
    %get3A_5 = arith.constant 0 : index
    %get3A_6 = arith.constant 0 : index
    %get3A_7 = vector.load %arg1[%get3A_5, %get3A_6] : memref<1000x256xf32, #tpu.memory_space<vmem>>, vector<1000x256xf32>
    %add3A = arith.addf %get3A_7, %concatenate3A : vector<1000x256xf32>
    %get3A_8 = arith.constant 0 : index
    %get3A_9 = arith.constant 0 : index
    %get3A_10 = vector.load %arg3[%get3A_8, %get3A_9] : memref<1x256xf32, #tpu.memory_space<vmem>>, vector<1x256xf32>
    %add3A_11 = vector.broadcast %get3A_10 : vector<1x256xf32> to vector<1000x256xf32>
    %add3A_12 = arith.addf %add3A, %add3A_11 : vector<1000x256xf32>
    %mul3A = arith.mulf %add3A_12, %add3A_12 : vector<1000x256xf32>
    %reduce_sum3A = arith.constant dense<0.000000e+00> : vector<1000xf32>
    %reduce_sum3A_13 = vector.multi_reduction <add>, %mul3A, %reduce_sum3A [1] : vector<1000x256xf32> to vector<1000xf32>
    %broadcast_in_dim3A = vector.shape_cast %reduce_sum3A_13 : vector<1000xf32> to vector<1000x1xf32>
    %sqrt3A = math.sqrt %broadcast_in_dim3A : vector<1000x1xf32>
    %max3A = arith.constant 9.99999996E-13 : f32
    %max3A_14 = vector.broadcast %max3A : f32 to vector<1000x1xf32>
    %max3A_15 = arith.maximumf %sqrt3A, %max3A_14 : vector<1000x1xf32>
    %div3A = vector.broadcast %max3A_15 : vector<1000x1xf32> to vector<1000x256xf32>
    %div3A_16 = arith.divf %add3A_12, %div3A : vector<1000x256xf32>
    %swap3A = arith.constant 0 : index
    %swap3A_17 = arith.constant 0 : index
    %swap3A_18 = vector.load %arg4[%swap3A, %swap3A_17] : memref<1000x256xf32, #tpu.memory_space<vmem>>, vector<1000x256xf32>
    tpu.vector_store %arg4[%swap3A, %swap3A_17], %div3A_16 {strides = array<i32>} : memref<1000x256xf32, #tpu.memory_space<vmem>>, vector<1000x256xf32>,
    return
  }
  func.func @transform_0(%arg0: i32) -> (i32, i32) {
    %c0_i32 = arith.constant 0 : i32
    %c0_i32_0 = arith.constant 0 : i32
    return %arg0, %c0_i32 : i32, i32
  }
  func.func @transform_1(%arg0: i32) -> (i32, i32, i32) {
    %c0_i32 = arith.constant 0 : i32
    %c0_i32_0 = arith.constant 0 : i32
    %c0_i32_1 = arith.constant 0 : i32
    return %c0_i32, %arg0, %c0_i32_0 : i32, i32, i32
  }
  func.func @transform_2(%arg0: i32) -> (i32, i32) {
    %c0_i32 = arith.constant 0 : i32
    %c0_i32_0 = arith.constant 0 : i32
    %c0_i32_1 = arith.constant 0 : i32
    return %c0_i32, %c0_i32_0 : i32, i32
  }
  func.func @transform_3(%arg0: i32) -> (i32, i32) {
    %c0_i32 = arith.constant 0 : i32
    %c0_i32_0 = arith.constant 0 : i32
    return %arg0, %c0_i32 : i32, i32
  }
}

</mosaic_0001>

<sc_bundles>
// kernel: kernel.6.cloned.1.call-start
scs
__scs_entry_jumppad:
0x0: {  	(pc) =	sbr.rel $0x88, $3  }
0x1: {  	(tag) =	ssettag $0x0;
	lr =	simm.s32 $0x1  }
0x2: {  	[smem:$0x3F9B] =	sst lr;
	_ =	strace $0xD0000000  }
0x3: {  	_ = 	snop  }
0x4: {  	_ = 	snop  }
0x5: {  	_ = 	snop  }
0x6: {  	_ = 	snop  }
0x7: {  	_ = 	snop  }
__scs_overlays_trampoline_lowered:
0x8: {  	[smem:$0x3FAA] =	sst s0  }
0x9: {  	[smem:$0x3FAB] =	sst s1  }
0xa: {  	[smem:$0x3FAC] =	sst s2  }
0xb: {  	[smem:$0x3FAD] =	sst s3  }
0xc: {  	[smem:$0x3FAE] =	sst s4  }
0xd: {  	[smem:$0x3FAF] =	sst s5  }
0xe: {  	[smem:$0x3FB0] =	sst s6  }
0xf: {  	[smem:$0x3FB1] =	sst s7  }
0x10: {  	[smem:$0x3FB2] =	sst s8  }
0x11: {  	[smem:$0x3FB3] =	sst s9;
	s0 =	simm.s32 @!p0 $0x0  }
0x12: {  	s1 =	sld [smem:$0x3F99];
	s0 =	simm.s32 @p0 $0x1  }
0x13: {  	[smem:$0x3FB4] =	sst s0;
	s0 =	simm.s32 @!p1 $0x0  }
0x14: {  	s2 =	sld [smem:$0x3F98];
	s0 =	simm.s32 @p1 $0x1  }
0x15: {  	[smem:$0x3FB5] =	sst s0;
	s0 =	simm.s32 @!p2 $0x0  }
0x16: {  	s3 =	sld [smem:$0x3FDB];
	s0 =	simm.s32 @p2 $0x1  }
0x17: {  	s4 =	simm.s32 $0x1BF5;
	[smem:$0x3FB7] =	sst s0  }
0x18: {  	s0 =	sld [smem:$0x3F9A];
	_ =	swait.ge [sflag:s4], $0x0  }
0x19: {  	s7 =	sld [smem:$0x3F9B]  }
0x1a: {  	s8 =	sadd.s32 $0xFFFFE003, lr  }
0x1b: {  	s9 =	sadd.s32 $0xFFFFFEF7, lr;
	s5 =	simm.s32 $0xFFFFFFFF;
	p2 =	slt.u32 s8, $0xFFFFF086  }
0x1c: {  	p1 =	slt.u32 s9, $0xF7A;
	s5 =	simm.s32 @!p2 $0x0  }
0x1d: {  	s5 =	simm.s32 @p1 $0x1;
	p0 =	seq.s32 s7, s2  }
0x1e: {  	s7 =	smul.u32 @!p0 $0xF7A, s2;
	p2 =	seq.s32 @!p0 s5, $0x0  }
0x1f: {  	s9 =	smul.u32 $0xF7A, s1;
	s8 =	simm.s32 @!p0 $0x1BF5;
	p2 =	por !p2, p0  }
0x20: {  	[sflag:s8] =	ssyncset.s32 @!p0 $0xFFFFF086;
	s6 =	sadd.s32 @!p0 s3, s7;
	s7 =	simm.s32 @!p0 $0x108  }
0x21: {  	s3 =	sadd.s32 s3, s9;
	s6 =	sadd.s32 @!p0 $0x88, s6;
	s7 =	simm.s32 @p2 $0x1082  }
0x22: {  	[simem:s7], [sflag:s8] =	dma.local @!p0 [hbm:s6], $0xF7A  }
0x23: {  	s9 =	sor.u32 $0xD0000000, s2;
	s6 =	simm.s32 $0x108;
	_ =	swait.ge @!p0 [sflag:s8], $0x0  }
0x24: {  	s3 =	sadd.s32 $0x88, s3;
	s6 =	simm.s32 @!p1 $0x1082;
	[sflag:s4] =	ssyncset.s32 $0xFFFFF086  }
0x25: {  	[simem:s6], [sflag:s4] =	dma.local [hbm:s3], $0xF7A  }
0x26: {  	[smem:$0x3F9B] =	sst s1;
	(tag) =	ssettag s2;
	_ =	strace s9  }
0x27: {  	s1 =	sld [smem:$0x3FAB]  }
0x28: {  	s2 =	sld [smem:$0x3FAC]  }
0x29: {  	s4 =	sld [smem:$0x3FAE]  }
0x2a: {  	p0 =	seq.s32 s5, $0x0;
	s5 =	sld [smem:$0x3FAF]  }
0x2b: {  	s6 =	sld [smem:$0x3FB0]  }
0x2c: {  	s7 =	sld [smem:$0x3FB1]  }
0x2d: {  	s3 =	simm.s32 $0x108;
	s8 =	sld [smem:$0x3FB2]  }
0x2e: {  	s3 =	simm.s32 @!p0 $0x1082;
	s9 =	sld [smem:$0x3FB3]  }
0x2f: {  	lr =	sadd.s32 s0, s3;
	s0 =	sld [smem:$0x3FAA]  }
0x30: {  	s3 =	sld [smem:$0x3FAD]  }
0x31: {  	[smem:$0x3FB6] =	sst s10  }
0x32: {  	s10 =	sld [smem:$0x3FB4];
	_ =	sdelay $0x3  }
0x33: {  	p0 =	seq.s32 s10, $0x1;
	s10 =	sld [smem:$0x3FB6];
	_ =	sdelay $0x3  }
0x34: {  	[smem:$0x3FB6] =	sst s10  }
0x35: {  	s10 =	sld [smem:$0x3FB5];
	_ =	sdelay $0x3  }
0x36: {  	p1 =	seq.s32 s10, $0x1;
	s10 =	sld [smem:$0x3FB6];
	_ =	sdelay $0x3  }
0x37: {  	[smem:$0x3FB6] =	sst s10  }
0x38: {  	s10 =	sld [smem:$0x3FB7]  }
0x39: {  	_ = 	snop;
	(pc) =	sbr.ind lr, $3  }
0x3a: {  	_ = 	snop  }
0x3b: {  	_ = 	snop  }
0x3c: {  	p2 =	seq.s32 s10, $0x1;
	s10 =	sld [smem:$0x3FB6]  }
0x3d: {  	_ =	shalt  }
0x3e: {  	_ =	shalt  }
0x3f: {  	_ =	shalt  }
0x40: {  	_ =	shalt  }
0x41: {  	_ =	shalt  }
0x42: {  	_ =	shalt  }
0x43: {  	_ =	shalt  }
0x44: {  	_ =	shalt  }
0x45: {  	_ =	shalt  }
0x46: {  	_ =	shalt  }
0x47: {  	_ =	shalt  }
0x48: {  	_ =	shalt  }
0x49: {  	_ =	shalt  }
0x4a: {  	_ =	shalt  }
0x4b: {  	_ =	shalt  }
0x4c: {  	_ =	shalt  }
0x4d: {  	_ =	shalt  }
0x4e: {  	_ =	shalt  }
0x4f: {  	_ =	shalt  }
0x50: {  	_ =	shalt  }
0x51: {  	_ =	shalt  }
0x52: {  	_ =	shalt  }
0x53: {  	_ =	shalt  }
0x54: {  	_ =	shalt  }
0x55: {  	_ =	shalt  }
0x56: {  	_ =	shalt  }
0x57: {  	_ =	shalt  }
0x58: {  	_ =	shalt  }
0x59: {  	_ =	shalt  }
0x5a: {  	_ =	shalt  }
0x5b: {  	_ =	shalt  }
0x5c: {  	_ =	shalt  }
0x5d: {  	_ =	shalt  }
0x5e: {  	_ =	shalt  }
0x5f: {  	_ =	shalt  }
0x60: {  	_ =	shalt  }
0x61: {  	_ =	shalt  }
0x62: {  	_ =	shalt  }
0x63: {  	_ =	shalt  }
0x64: {  	_ =	shalt  }
0x65: {  	_ =	shalt  }
0x66: {  	_ =	shalt  }
0x67: {  	_ =	shalt  }
0x68: {  	_ =	shalt  }
0x69: {  	_ =	shalt  }
0x6a: {  	_ =	shalt  }
0x6b: {  	_ =	shalt  }
0x6c: {  	_ =	shalt  }
0x6d: {  	_ =	shalt  }
0x6e: {  	_ =	shalt  }
0x6f: {  	_ =	shalt  }
0x70: {  	_ =	shalt  }
0x71: {  	_ =	shalt  }
0x72: {  	_ =	shalt  }
0x73: {  	_ =	shalt  }
0x74: {  	_ =	shalt  }
0x75: {  	_ =	shalt  }
0x76: {  	_ =	shalt  }
0x77: {  	_ =	shalt  }
0x78: {  	_ =	shalt  }
0x79: {  	_ =	shalt  }
0x7a: {  	_ =	shalt  }
0x7b: {  	_ =	shalt  }
0x7c: {  	_ =	shalt  }
0x7d: {  	_ =	shalt  }
0x7e: {  	_ =	shalt  }
0x7f: {  	_ =	shalt  }
0x80: {  	_ =	shalt  }
0x81: {  	_ =	shalt  }
0x82: {  	_ =	shalt  }
0x83: {  	_ =	shalt  }
0x84: {  	_ =	shalt  }
0x85: {  	_ =	shalt  }
0x86: {  	_ =	shalt  }
0x87: {  	_ =	shalt  }
.Lfunc_end0:
.L_simem_size_0:
called_computation_lowered:
.L_overlay_start_0:
0x88: {  	s2 =	sld [smem:$0x3FD9]  }
0x89: {  	s3 =	sld [smem:$0x3FFE];
	_ =	sdelay $0x1  }
0x8a: {  	s1 =	srdreg.scid  }
0x8b: {  	s0 =	sand.u32 $0x1, s1  }
0x8c: {  	s17 =	sshll.u32 s0, $0xA;
	s2 =	sadd.s32 s3, s2  }
0x8d: {  	s2 =	sadd.s32 s2, s17  }
0x8e: {  	[smem:$0x3FC2] =	sst s2  }
0x8f: {  	_ = 	snop  }
0x90: {  	s2 =	sld [smem:$0x3FD0];
	(tm) =	ssettm $0x1  }
0x91: {  	s18 =	sld [smem:$0x3FFB];
	_ =	sdelay $0x3  }
0x92: {  	_ =	strace s18  }
0x93: {  	s3 =	sld [smem:$0x3FFC];
	_ =	sdelay $0x3  }
0x94: {  	_ =	strace s3  }
0x95: {  	s3 =	sld [smem:$0x3FFD];
	_ =	sdelay $0x3  }
0x96: {  	_ =	strace s3  }
0x97: {  	_ =	strace $0x8FFFFFFF  }
0x98: {  	s19 =	sld [smem:$0x3FDB];
	_ =	sdelay $0x1  }
0x99: {  	s4 =	simm.s32 $_scs_section_size  }
0x9a: {  	s5 =	simm.s32 $_size__tile_overlayer_lowered;
	s6 =	simm.s32 $_tile_overlayer_lowered  }
0x9b: {  	s22 =	simm.s32 $0x1BFF;
	s21 =	sshll.u32 s6, $0x1;
	s3 =	sadd.s32 s4, s19  }
0x9c: {  	s7 =	simm.s32 $0x0;
	s20 =	sshll.u32 s5, $0x1;
	s5 =	sadd.s32 s21, s3  }
0x9d: {  	[timem:s7], [sflag:s22] =	dma.local [hbm:s5], s20  }
0x9e: {  	_ =	swait.ge [sflag:s22], s20  }
0x9f: {  	s4 =	ssub.s32 $0x0, s20;
	[sflag:s22] =	ssyncset.done $0x0  }
0xa0: {  	[sflag:s22] =	ssyncadd.s32 s4;
	_ =	sdelay $0x1  }
0xa1: {  	s23 =	simm.s32 $0x1B8B  }
0xa2: {  	_ =	swait.ge [sflag:s23], $0x1  }
0xa3: {  	[sflag:s23] =	ssyncset.done $0x0  }
0xa4: {  	s25 =	simm.s32 $0x1B8E;
	s24 =	sld [smem:$0x3FFE];
	[sflag:s23] =	ssyncadd.s32 $0xFFFFFFFF  }
0xa5: {  	s26 =	simm.s32 $execute0_lowered;
	[smem:$0x3FD2] =	sst s25  }
0xa6: {  	s5 =	sshll.u32 s26, $0x1;
	_ =	strace $0x80000046;
	[dreg:$0x1] =	wrdreg $0xFFFFFFFF  }
0xa7: {  	s28 =	simm.s32 $_size_execute0_lowered;
	s3 =	sadd.s32 s3, s5;
	[dreg:$0x0] =	wrdreg $0x0  }
0xa8: {  	s5 =	sshll.u32 s28, $0x1;
	[dreg:$0x2] =	wrdreg s3  }
0xa9: {  	[dreg:$0x3] =	wrdreg s5  }
0xaa: {  	[dreg:$0x4] =	wrdreg $0xC0  }
0xab: {  	_ =	task [dreg:s7], $0x5FFFF  }
0xac: {  	[dreg:$0x1] =	wrdreg $0xFFFFFFFF  }
0xad: {  	[dreg:$0x0] =	wrdreg $0x60  }
0xae: {  	[dreg:$0x2] =	wrdreg s24  }
0xaf: {  	[dreg:$0x3] =	wrdreg s2  }
0xb0: {  	[dreg:$0x4] =	wrdreg $0xA8000  }
0xb1: {  	[dreg:$0x5] =	wrdreg $0x9  }
0xb2: {  	_ =	task.clear_ibuf [dreg:s7], $0x6FFFF;
	_ =	strace $0x90000046  }
0xb3: {  	s29 =	simm.s32 $0x9;
	_ =	strace $0x80000048  }
0xb4: {  	_ =	swait.ge [sflag:s29], $0x1  }
0xb5: {  	[sflag:s29] =	ssyncadd.s32 $0xFFFFFFFF  }
0xb6: {  	_ =	strace $0x90000048  }
0xb7: {  	_ =	sfence  }
0xb8: {  	s30 =	sld [smem:$0x0];
	_ =	sdelay $0x2  }
0xb9: {  	s31 =	sshll.u32 s1, $0xD;
	s1 =	sshrl.u32 s1, $0x2  }
0xba: {  	s3 =	sand.u32 $0x4000, s31;
	s1 =	sadd.s32 s1, s30  }
0xbb: {  	s0 =	sor.u32 s3, s0;
	s1 =	sshll.u32 s1, $0x11  }
0xbc: {  	s0 =	sor.u32 s1, s0  }
0xbd: {  	s0 =	sadd.s32 $0x8F2B, s0  }
0xbe: {  	[sflag:s0] =	ssyncadd.remote.s32 $0x1  }
0xbf: {  	_ =	sfence.sel $0xFFFF  }
0xc0: {  	[dreg:$0x0] =	wrdreg $0xFFFFFFFF;
	(pc) =	sbr.abs _section_cstart, $3  }
0xc1: {  	[dreg:$0x1] =	wrdreg $0xFFFFFFFF  }
0xc2: {  	_ =	task.clear_ibuf [dreg:s7], $0x2FFFF;
	_ =	strace $0x9FFFFFFF  }
0xc3: {  	(tm) =	ssettm $0x7FFFFFFF  }
tec
execute0_lowered:
.L_overlay_start_1:
0x0: {  	(tag) =	ssettag $0x1  }
0x1: {  	s5 =	rddreg [dreg:$0x0]  }
0x2: {  	s1 =	srdreg.scid;
	s6 =	rddreg [dreg:$0x1]  }
0x3: {  	s0 =	stileid.u32;
	s2 =	rddreg [dreg:$0x2]  }
0x4: {  	s3 =	simm.s32 $0x0;
	s16 =	simm.s32 $0x80;
	s17 =	simm.s32 $0x2800  }
0x5: {  	s18 =	simm.s32 $0x1480;
	s19 =	simm.s32 $0x6800;
	s20 =	simm.s32 $0x1  }
0x6: {  	s21 =	simm.s32 $0x2;
	s22 =	simm.s32 $0x3;
	s8 =	smul.u32 $0x2800, s0  }
0x7: {  	s23 =	simm.s32 $0x4;
	s24 =	simm.s32 $0x1300;
	s9 =	smul.u32 $0x13C00, s0  }
0x8: {  	s25 =	simm.s32 $0x1380;
	s7 =	sand.u32 $0x1, s1;
	s12 =	smul.u32 $0x4F000, s0  }
0x9: {  	s26 =	simm.s32 $0x0;
	s1 =	rddreg [dreg:$0x3];
	s4 =	smul.u32 $0x28000, s7  }
0xa: {  	[smem:$0x7FF] =	sst s3;
	s11 =	smul.u32 $0x13C000, s7;
	s7 =	ssub.s32 $0x2, s7  }
0xb: {  	s31 =	sshll.u32 s0, $0x6;
	_ =	strace $0x80000047;
	s28 =	sshrl.u32 s7, $0x1  }
0xc: {  	s29 =	sshrl.u32 s12, $0x2;
	s30 =	sshrl.u32 s9, $0x3;
	s10 =	sadd.s32 s8, s4  }
0xd: {  	s4 =	sadd.s32 $0x5C00, s5;
	s8 =	sshrl.u32 s8, $0x3;
	s11 =	sadd.s32 s9, s11  }
0xe: {  	s14 =	ssub.s32 s7, s28;
	s15 =	sadd.s32 s29, s2;
	s10 =	sshrl.u32 s10, $0x3  }
0xf: {  	s11 =	sshrl.u32 s11, $0x3;
	s13 =	sadd.s32 s8, s5;
	s12 =	smax.u32 s14, $0x1  }
0x10: {  	s14 =	simm.s32 $0x5;
	s10 =	sadd.s32 s10, s5;
	s11 =	sadd.s32 s11, s5  }
0x11: {  	s5 =	sadd.s32 s6, s30;
	s6 =	sor.u32 $0x1C05, s31;
	s7 =	sadd.s32 $0xC00, s13  }
0x12: {  	s9 =	sadd.s32 $0xE80, s13;
	s13 =	sshrl.u32 s15, $0x3;
	s15 =	simm.s32 $0x1400  }
0x13: {  	s8 =	sadd.s32 $0x54000, s10;
	s10 =	sadd.s32 $0x54280, s10;
	s11 =	sadd.s32 $0x5E000, s11  }
.LBB2_1:
0x14: {  	[spmem:s13], [sflag:s6] =	dma.local [hbm:s5], $0x2780  }
0x15: {  	_ =	swait.ge [sflag:s14], $0x2780  }
0x16: {  	[sflag:s14] =	ssyncset.done $0x0  }
0x17: {  	[sflag:s14] =	ssyncadd.s32 $0xFFFFD880  }
0x18: {  	[bflag:$0x0] =	sbarrier.arrive $0xFFFF  }
0x19: {  	[tilespmem:s3], [sflag:$0x5] =	stream.linear.gather [hbm4b:s7+s3], $0x1400, $0x38;
	[tilespmem:$0x1E400] =	vst v63  }
0x1a: {  	_ =	swait.ge [sflag:s14], $0x1400  }
0x1b: {  	[sflag:s14] =	ssyncset.done $0x0  }
0x1c: {  	[sflag:s14] =	ssyncadd.s32 $0xFFFFEC00  }
0x1d: {  	[tilespmem:s15], [sflag:$0x5] =	stream.linear.gather [hbm4b:s8+s3], $0x1400, $0x38;
	[tilespmem:$0x1E400] =	vst v63  }
0x1e: {  	_ =	swait.ge [sflag:s14], $0x1400  }
0x1f: {  	[sflag:s14] =	ssyncset.done $0x0  }
0x20: {  	[sflag:s14] =	ssyncadd.s32 $0xFFFFEC00  }
0x21: {  	[tilespmem:s17], [sflag:$0x1] =	stream.indirect.gather [hbm4b:s4+s16], $0x80, s15, s16, $0xb8;
	[tilespmem:$0x1E400] =	vst v63  }
0x22: {  	_ = 	snop  }
0x23: {  	[tilespmem:s19], [sflag:$0x2] =	stream.indirect.gather [hbm4b:s4+s16], $0x80, s18, s16, $0xb8;
	[tilespmem:$0x1E400] =	vst v63  }
0x24: {  	_ =	swait.ge [sflag:s20], $0x4000  }
0x25: {  	[sflag:s20] =	ssyncset.done $0x0  }
0x26: {  	s28 =	simm.s32 $0x0;
	[sflag:s20] =	ssyncadd.s32 $0xFFFFC000  }
0x27: {  	[spmem:s2] =	stream.indirect.scatter.add.f32 [tilespmem:s17], [sflag:$0x3], $0x80, s28, s16, $0xb8;
	[tilespmem:$0x1E400] =	vst v63  }
0x28: {  	_ =	swait.ge [sflag:s21], $0x4000  }
0x29: {  	[sflag:s21] =	ssyncset.done $0x0  }
0x2a: {  	s28 =	simm.s32 $0x80;
	[sflag:s21] =	ssyncadd.s32 $0xFFFFC000  }
0x2b: {  	[spmem:s2] =	stream.indirect.scatter.add.f32 [tilespmem:s19], [sflag:$0x4], $0x80, s28, s16, $0xb8;
	[tilespmem:$0x1E400] =	vst v63  }
0x2c: {  	_ =	swait.ge [sflag:s22], $0x4000  }
0x2d: {  	[sflag:s22] =	ssyncset.done $0x0  }
0x2e: {  	s28 =	simm.s32 $0x1500;
	[sflag:s22] =	ssyncadd.s32 $0xFFFFC000  }
0x2f: {  	[tilespmem:s17], [sflag:$0x1] =	stream.indirect.gather [hbm4b:s4+s16], $0x80, s28, s16, $0xb8;
	[tilespmem:$0x1E400] =	vst v63  }
0x30: {  	_ =	swait.ge [sflag:s23], $0x4000  }
0x31: {  	[sflag:s23] =	ssyncset.done $0x0  }
0x32: {  	s29 =	simm.s32 $0x1580;
	s28 =	simm.s32 $0x400;
	[sflag:s23] =	ssyncadd.s32 $0xFFFFC000  }
.LBB2_2:
0x33: {  	[tilespmem:s19], [sflag:$0x2] =	stream.indirect.gather [hbm4b:s4+s16], $0x80, s29, s16, $0xb8;
	[tilespmem:$0x1E400] =	vst v63  }
0x34: {  	s29 =	smov.u32 s28  }
0x35: {  	p0 =	sne.s32 s28, $0x4800;
	s28 =	sadd.s32 $0x400, s28;
	_ =	swait.ge [sflag:s20], $0x4000  }
0x36: {  	[sflag:s20] =	ssyncset.done $0x0  }
0x37: {  	s29 =	sshra.s32 s29, $0x2;
	[sflag:s20] =	ssyncadd.s32 $0xFFFFC000  }
0x38: {  	[spmem:s2] =	stream.indirect.scatter.add.f32 [tilespmem:s17], [sflag:$0x3], $0x80, s29, s16, $0xb8;
	[tilespmem:$0x1E400] =	vst v63  }
0x39: {  	_ =	swait.ge [sflag:s21], $0x4000  }
0x3a: {  	[sflag:s21] =	ssyncset.done $0x0  }
0x3b: {  	s30 =	sadd.s32 $0x80, s29;
	[sflag:s21] =	ssyncadd.s32 $0xFFFFC000  }
0x3c: {  	[spmem:s2] =	stream.indirect.scatter.add.f32 [tilespmem:s19], [sflag:$0x4], $0x80, s30, s16, $0xb8;
	[tilespmem:$0x1E400] =	vst v63  }
0x3d: {  	_ =	swait.ge [sflag:s22], $0x4000  }
0x3e: {  	[sflag:s22] =	ssyncset.done $0x0  }
.Ltmp0:
0x3f: {  	s30 =	sadd.s32 $0x1500, s29;
	[sflag:s22] =	ssyncadd.s32 $0xFFFFC000;
	(pc) =	sbr.rel @p0 .LBB2_2-.Ltmp0, $4  }
0x40: {  	[tilespmem:s17], [sflag:$0x1] =	stream.indirect.gather [hbm4b:s4+s16], $0x80, s30, s16, $0xb8;
	[tilespmem:$0x1E400] =	vst v63  }
0x41: {  	_ =	swait.ge [sflag:s23], $0x4000  }
0x42: {  	[sflag:s23] =	ssyncset.done $0x0  }
0x43: {  	s29 =	sadd.s32 $0x1580, s29;
	[sflag:s23] =	ssyncadd.s32 $0xFFFFC000  }
0x44: {  	[tilespmem:s19], [sflag:$0x2] =	stream.indirect.gather [hbm4b:s4+s16], $0x80, s29, s16, $0xb8;
	[tilespmem:$0x1E400] =	vst v63  }
0x45: {  	_ =	swait.ge [sflag:s20], $0x4000  }
0x46: {  	[sflag:s20] =	ssyncset.done $0x0  }
0x47: {  	[sflag:s20] =	ssyncadd.s32 $0xFFFFC000  }
0x48: {  	[spmem:s2] =	stream.indirect.scatter.add.f32 [tilespmem:s17], [sflag:$0x3], $0x80, s24, s16, $0xb8;
	[tilespmem:$0x1E400] =	vst v63  }
0x49: {  	_ =	swait.ge [sflag:s21], $0x4000  }
0x4a: {  	[sflag:s21] =	ssyncset.done $0x0  }
0x4b: {  	[sflag:s21] =	ssyncadd.s32 $0xFFFFC000  }
0x4c: {  	[spmem:s2] =	stream.indirect.scatter.add.f32 [tilespmem:s19], [sflag:$0x4], $0x80, s25, s16, $0xb8;
	[tilespmem:$0x1E400] =	vst v63  }
0x4d: {  	_ =	swait.ge [sflag:s22], $0x4000  }
0x4e: {  	[sflag:s22] =	ssyncset.done $0x0  }
0x4f: {  	[sflag:s22] =	ssyncadd.s32 $0xFFFFC000  }
0x50: {  	_ =	swait.ge [sflag:s23], $0x4000  }
0x51: {  	[sflag:s23] =	ssyncset.done $0x0  }
0x52: {  	s28 =	simm.s32 $0x0;
	[sflag:s23] =	ssyncadd.s32 $0xFFFFC000  }
0x53: {  	[tilespmem:s28], [sflag:$0x5] =	stream.linear.gather [hbm4b:s9+s28], $0x1400, $0x38;
	[tilespmem:$0x1E400] =	vst v63  }
0x54: {  	_ =	swait.ge [sflag:s14], $0x1400  }
0x55: {  	[sflag:s14] =	ssyncset.done $0x0  }
0x56: {  	[sflag:s14] =	ssyncadd.s32 $0xFFFFEC00  }
0x57: {  	[tilespmem:s15], [sflag:$0x5] =	stream.linear.gather [hbm4b:s10+s28], $0x1400, $0x38;
	[tilespmem:$0x1E400] =	vst v63  }
0x58: {  	_ =	swait.ge [sflag:s14], $0x1400  }
0x59: {  	[sflag:s14] =	ssyncset.done $0x0  }
0x5a: {  	[sflag:s14] =	ssyncadd.s32 $0xFFFFEC00  }
0x5b: {  	[tilespmem:s17], [sflag:$0x1] =	stream.indirect.gather [hbm4b:s4+s16], $0x80, s15, s16, $0xb8;
	[tilespmem:$0x1E400] =	vst v63  }
0x5c: {  	_ = 	snop  }
0x5d: {  	[tilespmem:s19], [sflag:$0x2] =	stream.indirect.gather [hbm4b:s4+s16], $0x80, s18, s16, $0xb8;
	[tilespmem:$0x1E400] =	vst v63  }
0x5e: {  	_ =	swait.ge [sflag:s20], $0x4000  }
0x5f: {  	[sflag:s20] =	ssyncset.done $0x0  }
0x60: {  	s28 =	simm.s32 $0x0;
	[sflag:s20] =	ssyncadd.s32 $0xFFFFC000  }
0x61: {  	[spmem:s2] =	stream.indirect.scatter.add.f32 [tilespmem:s17], [sflag:$0x3], $0x80, s28, s16, $0xb8;
	[tilespmem:$0x1E400] =	vst v63  }
0x62: {  	_ =	swait.ge [sflag:s21], $0x4000  }
0x63: {  	[sflag:s21] =	ssyncset.done $0x0  }
0x64: {  	s28 =	simm.s32 $0x80;
	[sflag:s21] =	ssyncadd.s32 $0xFFFFC000  }
0x65: {  	[spmem:s2] =	stream.indirect.scatter.add.f32 [tilespmem:s19], [sflag:$0x4], $0x80, s28, s16, $0xb8;
	[tilespmem:$0x1E400] =	vst v63  }
0x66: {  	_ =	swait.ge [sflag:s22], $0x4000  }
0x67: {  	[sflag:s22] =	ssyncset.done $0x0  }
0x68: {  	s28 =	simm.s32 $0x1500;
	[sflag:s22] =	ssyncadd.s32 $0xFFFFC000  }
0x69: {  	[tilespmem:s17], [sflag:$0x1] =	stream.indirect.gather [hbm4b:s4+s16], $0x80, s28, s16, $0xb8;
	[tilespmem:$0x1E400] =	vst v63  }
0x6a: {  	_ =	swait.ge [sflag:s23], $0x4000  }
0x6b: {  	[sflag:s23] =	ssyncset.done $0x0  }
0x6c: {  	s29 =	simm.s32 $0x1580;
	s28 =	simm.s32 $0x400;
	[sflag:s23] =	ssyncadd.s32 $0xFFFFC000  }
.LBB2_4:
0x6d: {  	[tilespmem:s19], [sflag:$0x2] =	stream.indirect.gather [hbm4b:s4+s16], $0x80, s29, s16, $0xb8;
	[tilespmem:$0x1E400] =	vst v63  }
0x6e: {  	s29 =	smov.u32 s28  }
0x6f: {  	p0 =	sne.s32 s28, $0x4800;
	s28 =	sadd.s32 $0x400, s28;
	_ =	swait.ge [sflag:s20], $0x4000  }
0x70: {  	[sflag:s20] =	ssyncset.done $0x0  }
0x71: {  	s29 =	sshra.s32 s29, $0x2;
	[sflag:s20] =	ssyncadd.s32 $0xFFFFC000  }
0x72: {  	[spmem:s2] =	stream.indirect.scatter.add.f32 [tilespmem:s17], [sflag:$0x3], $0x80, s29, s16, $0xb8;
	[tilespmem:$0x1E400] =	vst v63  }
0x73: {  	_ =	swait.ge [sflag:s21], $0x4000  }
0x74: {  	[sflag:s21] =	ssyncset.done $0x0  }
0x75: {  	s30 =	sadd.s32 $0x80, s29;
	[sflag:s21] =	ssyncadd.s32 $0xFFFFC000  }
0x76: {  	[spmem:s2] =	stream.indirect.scatter.add.f32 [tilespmem:s19], [sflag:$0x4], $0x80, s30, s16, $0xb8;
	[tilespmem:$0x1E400] =	vst v63  }
0x77: {  	_ =	swait.ge [sflag:s22], $0x4000  }
0x78: {  	[sflag:s22] =	ssyncset.done $0x0  }
.Ltmp1:
0x79: {  	s30 =	sadd.s32 $0x1500, s29;
	[sflag:s22] =	ssyncadd.s32 $0xFFFFC000;
	(pc) =	sbr.rel @p0 .LBB2_4-.Ltmp1, $4  }
0x7a: {  	[tilespmem:s17], [sflag:$0x1] =	stream.indirect.gather [hbm4b:s4+s16], $0x80, s30, s16, $0xb8;
	[tilespmem:$0x1E400] =	vst v63  }
0x7b: {  	_ =	swait.ge [sflag:s23], $0x4000  }
0x7c: {  	[sflag:s23] =	ssyncset.done $0x0  }
0x7d: {  	s29 =	sadd.s32 $0x1580, s29;
	[sflag:s23] =	ssyncadd.s32 $0xFFFFC000  }
0x7e: {  	[tilespmem:s19], [sflag:$0x2] =	stream.indirect.gather [hbm4b:s4+s16], $0x80, s29, s16, $0xb8;
	[tilespmem:$0x1E400] =	vst v63  }
0x7f: {  	_ =	swait.ge [sflag:s20], $0x4000  }
0x80: {  	[sflag:s20] =	ssyncset.done $0x0  }
0x81: {  	[sflag:s20] =	ssyncadd.s32 $0xFFFFC000  }
0x82: {  	[spmem:s2] =	stream.indirect.scatter.add.f32 [tilespmem:s17], [sflag:$0x3], $0x80, s24, s16, $0xb8;
	[tilespmem:$0x1E400] =	vst v63  }
0x83: {  	_ =	swait.ge [sflag:s21], $0x4000  }
0x84: {  	[sflag:s21] =	ssyncset.done $0x0  }
0x85: {  	[sflag:s21] =	ssyncadd.s32 $0xFFFFC000  }
0x86: {  	[spmem:s2] =	stream.indirect.scatter.add.f32 [tilespmem:s19], [sflag:$0x4], $0x80, s25, s16, $0xb8;
	[tilespmem:$0x1E400] =	vst v63  }
0x87: {  	_ =	swait.ge [sflag:s22], $0x4000  }
0x88: {  	[sflag:s22] =	ssyncset.done $0x0  }
0x89: {  	[sflag:s22] =	ssyncadd.s32 $0xFFFFC000  }
0x8a: {  	_ =	swait.ge [sflag:s23], $0x4000  }
0x8b: {  	[sflag:s23] =	ssyncset.done $0x0  }
0x8c: {  	s26 =	sadd.s32 $0x1, s26;
	[sflag:s23] =	ssyncadd.s32 $0xFFFFC000  }
0x8d: {  	p0 =	sne.s32 s26, s12;
	[bflag:$0x0] =	sbarrier.arrive $0xFFFF  }
0x8e: {  	[hbm:s11], [sflag:s6] =	dma.local [spmem:s13], $0x2780  }
.Ltmp2:
0x8f: {  	_ =	swait.ge [sflag:s14], $0x2780;
	(pc) =	sbr.rel @p0 .LBB2_1-.Ltmp2, $3  }
0x90: {  	[sflag:s14] =	ssyncset.done $0x0  }
0x91: {  	[sflag:s14] =	ssyncadd.s32 $0xFFFFD880  }
0x92: {  	[bflag:$0x0] =	sbarrier.arrive $0xFFFF;
	_ =	sdelay $0x1  }
0x93: {  	_ =	sfence.sel $0x180000  }
0x94: {  	[bflag:$0x0] =	sbarrier.arrive $0xFFFF  }
0x95: {  	p0 =	sne.s32 s0, $0x0;
	_ =	strace $0x90000047  }
0x96: {  	s0 =	sadd.s32 @!p0 $0x100000, s1;
	[bflag:$0x2] =	sbarrier.arrive $0xFFFF  }
0x97: {  	[sflag:s0] =	ssyncadd.tile.s32 @!p0 $0x1;
	_ =	shalt  }
.Lfunc_end2:
_tile_overlayer_lowered:
.L_overlay_start_2:
0x98: {  	(tag) =	ssettag $0x2  }
0x99: {  	s0 =	rddreg [dreg:$0x0];
	s2 =	stileid.u32  }
0x9a: {  	s1 =	rddreg [dreg:$0x1];
	p0 =	sne.s32 s2, $0x0  }
0x9b: {  	s3 =	rddreg [dreg:$0x2];
	[bflag:$0x3] =	sbarrier.arrive $0xFFFF;
	s2 =	simm.s32 @!p0 $0x1C05  }
0x9c: {  	[timem:s3], [sflag:s2] =	dma.local @!p0 [hbm:s0], s1  }
0x9d: {  	s0 =	simm.s32 @!p0 $0x5  }
0x9e: {  	_ =	swait.ge @!p0 [sflag:s0], s1  }
0x9f: {  	s1 =	ssub.s32 @!p0 $0x0, s1;
	[sflag:s0] =	ssyncset.done @!p0 $0x0  }
0xa0: {  	[sflag:s0] =	ssyncadd.s32 @!p0 s1  }
0xa1: {  	[bflag:$0x3] =	sbarrier.arrive $0xFFFF  }
0xa2: {  	_ =	shalt  }

// kernel: kernel.9.cloned.1.call-start
scs
__scs_entry_jumppad:
0x0: {  	(pc) =	sbr.rel $0x88, $3  }
0x1: {  	(tag) =	ssettag $0x0;
	lr =	simm.s32 $0x1  }
0x2: {  	[smem:$0x3F9B] =	sst lr;
	_ =	strace $0xD0000000  }
0x3: {  	_ = 	snop  }
0x4: {  	_ = 	snop  }
0x5: {  	_ = 	snop  }
0x6: {  	_ = 	snop  }
0x7: {  	_ = 	snop  }
__scs_overlays_trampoline_lowered:
0x8: {  	[smem:$0x3FAA] =	sst s0  }
0x9: {  	[smem:$0x3FAB] =	sst s1  }
0xa: {  	[smem:$0x3FAC] =	sst s2  }
0xb: {  	[smem:$0x3FAD] =	sst s3  }
0xc: {  	[smem:$0x3FAE] =	sst s4  }
0xd: {  	[smem:$0x3FAF] =	sst s5  }
0xe: {  	[smem:$0x3FB0] =	sst s6  }
0xf: {  	[smem:$0x3FB1] =	sst s7  }
0x10: {  	[smem:$0x3FB2] =	sst s8  }
0x11: {  	[smem:$0x3FB3] =	sst s9;
	s0 =	simm.s32 @!p0 $0x0  }
0x12: {  	s1 =	sld [smem:$0x3F99];
	s0 =	simm.s32 @p0 $0x1  }
0x13: {  	[smem:$0x3FB4] =	sst s0;
	s0 =	simm.s32 @!p1 $0x0  }
0x14: {  	s2 =	sld [smem:$0x3F98];
	s0 =	simm.s32 @p1 $0x1  }
0x15: {  	[smem:$0x3FB5] =	sst s0;
	s0 =	simm.s32 @!p2 $0x0  }
0x16: {  	s3 =	sld [smem:$0x3FDB];
	s0 =	simm.s32 @p2 $0x1  }
0x17: {  	s4 =	simm.s32 $0x1BF5;
	[smem:$0x3FB7] =	sst s0  }
0x18: {  	s0 =	sld [smem:$0x3F9A];
	_ =	swait.ge [sflag:s4], $0x0  }
0x19: {  	s7 =	sld [smem:$0x3F9B]  }
0x1a: {  	s8 =	sadd.s32 $0xFFFFE003, lr  }
0x1b: {  	s9 =	sadd.s32 $0xFFFFFEF7, lr;
	s5 =	simm.s32 $0xFFFFFFFF;
	p2 =	slt.u32 s8, $0xFFFFF086  }
0x1c: {  	p1 =	slt.u32 s9, $0xF7A;
	s5 =	simm.s32 @!p2 $0x0  }
0x1d: {  	s5 =	simm.s32 @p1 $0x1;
	p0 =	seq.s32 s7, s2  }
0x1e: {  	s7 =	smul.u32 @!p0 $0xF7A, s2;
	p2 =	seq.s32 @!p0 s5, $0x0  }
0x1f: {  	s9 =	smul.u32 $0xF7A, s1;
	s8 =	simm.s32 @!p0 $0x1BF5;
	p2 =	por !p2, p0  }
0x20: {  	[sflag:s8] =	ssyncset.s32 @!p0 $0xFFFFF086;
	s6 =	sadd.s32 @!p0 s3, s7;
	s7 =	simm.s32 @!p0 $0x108  }
0x21: {  	s3 =	sadd.s32 s3, s9;
	s6 =	sadd.s32 @!p0 $0x88, s6;
	s7 =	simm.s32 @p2 $0x1082  }
0x22: {  	[simem:s7], [sflag:s8] =	dma.local @!p0 [hbm:s6], $0xF7A  }
0x23: {  	s9 =	sor.u32 $0xD0000000, s2;
	s6 =	simm.s32 $0x108;
	_ =	swait.ge @!p0 [sflag:s8], $0x0  }
0x24: {  	s3 =	sadd.s32 $0x88, s3;
	s6 =	simm.s32 @!p1 $0x1082;
	[sflag:s4] =	ssyncset.s32 $0xFFFFF086  }
0x25: {  	[simem:s6], [sflag:s4] =	dma.local [hbm:s3], $0xF7A  }
0x26: {  	[smem:$0x3F9B] =	sst s1;
	(tag) =	ssettag s2;
	_ =	strace s9  }
0x27: {  	s1 =	sld [smem:$0x3FAB]  }
0x28: {  	s2 =	sld [smem:$0x3FAC]  }
0x29: {  	s4 =	sld [smem:$0x3FAE]  }
0x2a: {  	p0 =	seq.s32 s5, $0x0;
	s5 =	sld [smem:$0x3FAF]  }
0x2b: {  	s6 =	sld [smem:$0x3FB0]  }
0x2c: {  	s7 =	sld [smem:$0x3FB1]  }
0x2d: {  	s3 =	simm.s32 $0x108;
	s8 =	sld [smem:$0x3FB2]  }
0x2e: {  	s3 =	simm.s32 @!p0 $0x1082;
	s9 =	sld [smem:$0x3FB3]  }
0x2f: {  	lr =	sadd.s32 s0, s3;
	s0 =	sld [smem:$0x3FAA]  }
0x30: {  	s3 =	sld [smem:$0x3FAD]  }
0x31: {  	[smem:$0x3FB6] =	sst s10  }
0x32: {  	s10 =	sld [smem:$0x3FB4];
	_ =	sdelay $0x3  }
0x33: {  	p0 =	seq.s32 s10, $0x1;
	s10 =	sld [smem:$0x3FB6];
	_ =	sdelay $0x3  }
0x34: {  	[smem:$0x3FB6] =	sst s10  }
0x35: {  	s10 =	sld [smem:$0x3FB5];
	_ =	sdelay $0x3  }
0x36: {  	p1 =	seq.s32 s10, $0x1;
	s10 =	sld [smem:$0x3FB6];
	_ =	sdelay $0x3  }
0x37: {  	[smem:$0x3FB6] =	sst s10  }
0x38: {  	s10 =	sld [smem:$0x3FB7]  }
0x39: {  	_ = 	snop;
	(pc) =	sbr.ind lr, $3  }
0x3a: {  	_ = 	snop  }
0x3b: {  	_ = 	snop  }
0x3c: {  	p2 =	seq.s32 s10, $0x1;
	s10 =	sld [smem:$0x3FB6]  }
0x3d: {  	_ =	shalt  }
0x3e: {  	_ =	shalt  }
0x3f: {  	_ =	shalt  }
0x40: {  	_ =	shalt  }
0x41: {  	_ =	shalt  }
0x42: {  	_ =	shalt  }
0x43: {  	_ =	shalt  }
0x44: {  	_ =	shalt  }
0x45: {  	_ =	shalt  }
0x46: {  	_ =	shalt  }
0x47: {  	_ =	shalt  }
0x48: {  	_ =	shalt  }
0x49: {  	_ =	shalt  }
0x4a: {  	_ =	shalt  }
0x4b: {  	_ =	shalt  }
0x4c: {  	_ =	shalt  }
0x4d: {  	_ =	shalt  }
0x4e: {  	_ =	shalt  }
0x4f: {  	_ =	shalt  }
0x50: {  	_ =	shalt  }
0x51: {  	_ =	shalt  }
0x52: {  	_ =	shalt  }
0x53: {  	_ =	shalt  }
0x54: {  	_ =	shalt  }
0x55: {  	_ =	shalt  }
0x56: {  	_ =	shalt  }
0x57: {  	_ =	shalt  }
0x58: {  	_ =	shalt  }
0x59: {  	_ =	shalt  }
0x5a: {  	_ =	shalt  }
0x5b: {  	_ =	shalt  }
0x5c: {  	_ =	shalt  }
0x5d: {  	_ =	shalt  }
0x5e: {  	_ =	shalt  }
0x5f: {  	_ =	shalt  }
0x60: {  	_ =	shalt  }
0x61: {  	_ =	shalt  }
0x62: {  	_ =	shalt  }
0x63: {  	_ =	shalt  }
0x64: {  	_ =	shalt  }
0x65: {  	_ =	shalt  }
0x66: {  	_ =	shalt  }
0x67: {  	_ =	shalt  }
0x68: {  	_ =	shalt  }
0x69: {  	_ =	shalt  }
0x6a: {  	_ =	shalt  }
0x6b: {  	_ =	shalt  }
0x6c: {  	_ =	shalt  }
0x6d: {  	_ =	shalt  }
0x6e: {  	_ =	shalt  }
0x6f: {  	_ =	shalt  }
0x70: {  	_ =	shalt  }
0x71: {  	_ =	shalt  }
0x72: {  	_ =	shalt  }
0x73: {  	_ =	shalt  }
0x74: {  	_ =	shalt  }
0x75: {  	_ =	shalt  }
0x76: {  	_ =	shalt  }
0x77: {  	_ =	shalt  }
0x78: {  	_ =	shalt  }
0x79: {  	_ =	shalt  }
0x7a: {  	_ =	shalt  }
0x7b: {  	_ =	shalt  }
0x7c: {  	_ =	shalt  }
0x7d: {  	_ =	shalt  }
0x7e: {  	_ =	shalt  }
0x7f: {  	_ =	shalt  }
0x80: {  	_ =	shalt  }
0x81: {  	_ =	shalt  }
0x82: {  	_ =	shalt  }
0x83: {  	_ =	shalt  }
0x84: {  	_ =	shalt  }
0x85: {  	_ =	shalt  }
0x86: {  	_ =	shalt  }
0x87: {  	_ =	shalt  }
.Lfunc_end0:
.L_simem_size_0:
called_computation.1_lowered:
.L_overlay_start_0:
0x88: {  	s2 =	sld [smem:$0x3FD9]  }
0x89: {  	s3 =	sld [smem:$0x3FFE];
	_ =	sdelay $0x1  }
0x8a: {  	s1 =	srdreg.scid  }
0x8b: {  	s0 =	sand.u32 $0x1, s1  }
0x8c: {  	s17 =	sshll.u32 s0, $0xA;
	s2 =	sadd.s32 s3, s2  }
0x8d: {  	s2 =	sadd.s32 s2, s17  }
0x8e: {  	[smem:$0x3FC2] =	sst s2  }
0x8f: {  	_ = 	snop  }
0x90: {  	s2 =	sld [smem:$0x3FD0];
	(tm) =	ssettm $0x1  }
0x91: {  	s18 =	sld [smem:$0x3FFB];
	_ =	sdelay $0x3  }
0x92: {  	_ =	strace s18  }
0x93: {  	s3 =	sld [smem:$0x3FFC];
	_ =	sdelay $0x3  }
0x94: {  	_ =	strace s3  }
0x95: {  	s3 =	sld [smem:$0x3FFD];
	_ =	sdelay $0x3  }
0x96: {  	_ =	strace s3  }
0x97: {  	_ =	strace $0x8FFFFFFF  }
0x98: {  	s19 =	sld [smem:$0x3FDB];
	_ =	sdelay $0x1  }
0x99: {  	s4 =	simm.s32 $_scs_section_size  }
0x9a: {  	s5 =	simm.s32 $_size__tile_overlayer_lowered;
	s6 =	simm.s32 $_tile_overlayer_lowered  }
0x9b: {  	s22 =	simm.s32 $0x1BFF;
	s21 =	sshll.u32 s6, $0x1;
	s3 =	sadd.s32 s4, s19  }
0x9c: {  	s7 =	simm.s32 $0x0;
	s20 =	sshll.u32 s5, $0x1;
	s5 =	sadd.s32 s21, s3  }
0x9d: {  	[timem:s7], [sflag:s22] =	dma.local [hbm:s5], s20  }
0x9e: {  	_ =	swait.ge [sflag:s22], s20  }
0x9f: {  	s4 =	ssub.s32 $0x0, s20;
	[sflag:s22] =	ssyncset.done $0x0  }
0xa0: {  	[sflag:s22] =	ssyncadd.s32 s4;
	_ =	sdelay $0x1  }
0xa1: {  	s23 =	simm.s32 $0x1B8B  }
0xa2: {  	_ =	swait.ge [sflag:s23], $0x1  }
0xa3: {  	[sflag:s23] =	ssyncset.done $0x0  }
0xa4: {  	s25 =	simm.s32 $0x1B8E;
	s24 =	sld [smem:$0x3FFE];
	[sflag:s23] =	ssyncadd.s32 $0xFFFFFFFF  }
0xa5: {  	s26 =	simm.s32 $execute0_lowered;
	[smem:$0x3FD2] =	sst s25  }
0xa6: {  	s5 =	sshll.u32 s26, $0x1;
	_ =	strace $0x80000049;
	[dreg:$0x1] =	wrdreg $0xFFFFFFFF  }
0xa7: {  	s28 =	simm.s32 $_size_execute0_lowered;
	s3 =	sadd.s32 s3, s5;
	[dreg:$0x0] =	wrdreg $0x0  }
0xa8: {  	s5 =	sshll.u32 s28, $0x1;
	[dreg:$0x2] =	wrdreg s3  }
0xa9: {  	[dreg:$0x3] =	wrdreg s5  }
0xaa: {  	[dreg:$0x4] =	wrdreg $0xC0  }
0xab: {  	_ =	task [dreg:s7], $0x5FFFF  }
0xac: {  	[dreg:$0x1] =	wrdreg $0xFFFFFFFF  }
0xad: {  	[dreg:$0x0] =	wrdreg $0x60  }
0xae: {  	[dreg:$0x2] =	wrdreg s24  }
0xaf: {  	[dreg:$0x3] =	wrdreg s2  }
0xb0: {  	[dreg:$0x4] =	wrdreg $0xA8000  }
0xb1: {  	[dreg:$0x5] =	wrdreg $0x9  }
0xb2: {  	_ =	task.clear_ibuf [dreg:s7], $0x6FFFF;
	_ =	strace $0x90000049  }
0xb3: {  	s29 =	simm.s32 $0x9;
	_ =	strace $0x8000004B  }
0xb4: {  	_ =	swait.ge [sflag:s29], $0x1  }
0xb5: {  	[sflag:s29] =	ssyncadd.s32 $0xFFFFFFFF  }
0xb6: {  	_ =	strace $0x9000004B  }
0xb7: {  	_ =	sfence  }
0xb8: {  	s30 =	sld [smem:$0x0];
	_ =	sdelay $0x2  }
0xb9: {  	s31 =	sshll.u32 s1, $0xD;
	s1 =	sshrl.u32 s1, $0x2  }
0xba: {  	s3 =	sand.u32 $0x4000, s31;
	s1 =	sadd.s32 s1, s30  }
0xbb: {  	s0 =	sor.u32 s3, s0;
	s1 =	sshll.u32 s1, $0x11  }
0xbc: {  	s0 =	sor.u32 s1, s0  }
0xbd: {  	s0 =	sadd.s32 $0x8F2B, s0  }
0xbe: {  	[sflag:s0] =	ssyncadd.remote.s32 $0x1  }
0xbf: {  	_ =	sfence.sel $0xFFFF  }
0xc0: {  	[dreg:$0x0] =	wrdreg $0xFFFFFFFF;
	(pc) =	sbr.abs _section_cstart, $3  }
0xc1: {  	[dreg:$0x1] =	wrdreg $0xFFFFFFFF  }
0xc2: {  	_ =	task.clear_ibuf [dreg:s7], $0x2FFFF;
	_ =	strace $0x9FFFFFFF  }
0xc3: {  	(tm) =	ssettm $0x7FFFFFFF  }
tec
execute0_lowered:
.L_overlay_start_1:
0x0: {  	(tag) =	ssettag $0x1  }
0x1: {  	s5 =	rddreg [dreg:$0x0]  }
0x2: {  	s1 =	srdreg.scid;
	s6 =	rddreg [dreg:$0x1]  }
0x3: {  	s0 =	stileid.u32;
	s2 =	rddreg [dreg:$0x2]  }
0x4: {  	s3 =	simm.s32 $0x0;
	s16 =	simm.s32 $0x80;
	s17 =	simm.s32 $0x2800  }
0x5: {  	s18 =	simm.s32 $0x1480;
	s19 =	simm.s32 $0x6800;
	s20 =	simm.s32 $0x1  }
0x6: {  	s21 =	simm.s32 $0x2;
	s22 =	simm.s32 $0x3;
	s8 =	smul.u32 $0x2800, s0  }
0x7: {  	s23 =	simm.s32 $0x4;
	s24 =	simm.s32 $0x1300;
	s9 =	smul.u32 $0x13C00, s0  }
0x8: {  	s25 =	simm.s32 $0x1380;
	s7 =	sand.u32 $0x1, s1;
	s12 =	smul.u32 $0x4F000, s0  }
0x9: {  	s26 =	simm.s32 $0x0;
	s1 =	rddreg [dreg:$0x3];
	s4 =	smul.u32 $0x28000, s7  }
0xa: {  	[smem:$0x7FF] =	sst s3;
	s11 =	smul.u32 $0x13C000, s7;
	s7 =	ssub.s32 $0x2, s7  }
0xb: {  	s31 =	sshll.u32 s0, $0x6;
	_ =	strace $0x8000004A;
	s28 =	sshrl.u32 s7, $0x1  }
0xc: {  	s29 =	sshrl.u32 s12, $0x2;
	s30 =	sshrl.u32 s9, $0x3;
	s10 =	sadd.s32 s8, s4  }
0xd: {  	s4 =	sadd.s32 $0x5C00, s5;
	s8 =	sshrl.u32 s8, $0x3;
	s11 =	sadd.s32 s9, s11  }
0xe: {  	s14 =	ssub.s32 s7, s28;
	s15 =	sadd.s32 s29, s2;
	s10 =	sshrl.u32 s10, $0x3  }
0xf: {  	s11 =	sshrl.u32 s11, $0x3;
	s13 =	sadd.s32 s8, s5;
	s12 =	smax.u32 s14, $0x1  }
0x10: {  	s14 =	simm.s32 $0x5;
	s10 =	sadd.s32 s10, s5;
	s11 =	sadd.s32 s11, s5  }
0x11: {  	s5 =	sadd.s32 s6, s30;
	s6 =	sor.u32 $0x1C05, s31;
	s7 =	sadd.s32 $0xC00, s13  }
0x12: {  	s9 =	sadd.s32 $0xE80, s13;
	s13 =	sshrl.u32 s15, $0x3;
	s15 =	simm.s32 $0x1400  }
0x13: {  	s8 =	sadd.s32 $0x54000, s10;
	s10 =	sadd.s32 $0x54280, s10;
	s11 =	sadd.s32 $0x5E000, s11  }
.LBB2_1:
0x14: {  	[spmem:s13], [sflag:s6] =	dma.local [hbm:s5], $0x2780  }
0x15: {  	_ =	swait.ge [sflag:s14], $0x2780  }
0x16: {  	[sflag:s14] =	ssyncset.done $0x0  }
0x17: {  	[sflag:s14] =	ssyncadd.s32 $0xFFFFD880  }
0x18: {  	[bflag:$0x0] =	sbarrier.arrive $0xFFFF  }
0x19: {  	[tilespmem:s3], [sflag:$0x5] =	stream.linear.gather [hbm4b:s7+s3], $0x1400, $0x38;
	[tilespmem:$0x1E400] =	vst v63  }
0x1a: {  	_ =	swait.ge [sflag:s14], $0x1400  }
0x1b: {  	[sflag:s14] =	ssyncset.done $0x0  }
0x1c: {  	[sflag:s14] =	ssyncadd.s32 $0xFFFFEC00  }
0x1d: {  	[tilespmem:s15], [sflag:$0x5] =	stream.linear.gather [hbm4b:s8+s3], $0x1400, $0x38;
	[tilespmem:$0x1E400] =	vst v63  }
0x1e: {  	_ =	swait.ge [sflag:s14], $0x1400  }
0x1f: {  	[sflag:s14] =	ssyncset.done $0x0  }
0x20: {  	[sflag:s14] =	ssyncadd.s32 $0xFFFFEC00  }
0x21: {  	[tilespmem:s17], [sflag:$0x1] =	stream.indirect.gather [hbm4b:s4+s16], $0x80, s15, s16, $0xb8;
	[tilespmem:$0x1E400] =	vst v63  }
0x22: {  	_ = 	snop  }
0x23: {  	[tilespmem:s19], [sflag:$0x2] =	stream.indirect.gather [hbm4b:s4+s16], $0x80, s18, s16, $0xb8;
	[tilespmem:$0x1E400] =	vst v63  }
0x24: {  	_ =	swait.ge [sflag:s20], $0x4000  }
0x25: {  	[sflag:s20] =	ssyncset.done $0x0  }
0x26: {  	s28 =	simm.s32 $0x0;
	[sflag:s20] =	ssyncadd.s32 $0xFFFFC000  }
0x27: {  	[spmem:s2] =	stream.indirect.scatter.add.f32 [tilespmem:s17], [sflag:$0x3], $0x80, s28, s16, $0xb8;
	[tilespmem:$0x1E400] =	vst v63  }
0x28: {  	_ =	swait.ge [sflag:s21], $0x4000  }
0x29: {  	[sflag:s21] =	ssyncset.done $0x0  }
0x2a: {  	s28 =	simm.s32 $0x80;
	[sflag:s21] =	ssyncadd.s32 $0xFFFFC000  }
0x2b: {  	[spmem:s2] =	stream.indirect.scatter.add.f32 [tilespmem:s19], [sflag:$0x4], $0x80, s28, s16, $0xb8;
	[tilespmem:$0x1E400] =	vst v63  }
0x2c: {  	_ =	swait.ge [sflag:s22], $0x4000  }
0x2d: {  	[sflag:s22] =	ssyncset.done $0x0  }
0x2e: {  	s28 =	simm.s32 $0x1500;
	[sflag:s22] =	ssyncadd.s32 $0xFFFFC000  }
0x2f: {  	[tilespmem:s17], [sflag:$0x1] =	stream.indirect.gather [hbm4b:s4+s16], $0x80, s28, s16, $0xb8;
	[tilespmem:$0x1E400] =	vst v63  }
0x30: {  	_ =	swait.ge [sflag:s23], $0x4000  }
0x31: {  	[sflag:s23] =	ssyncset.done $0x0  }
0x32: {  	s29 =	simm.s32 $0x1580;
	s28 =	simm.s32 $0x400;
	[sflag:s23] =	ssyncadd.s32 $0xFFFFC000  }
.LBB2_2:
0x33: {  	[tilespmem:s19], [sflag:$0x2] =	stream.indirect.gather [hbm4b:s4+s16], $0x80, s29, s16, $0xb8;
	[tilespmem:$0x1E400] =	vst v63  }
0x34: {  	s29 =	smov.u32 s28  }
0x35: {  	p0 =	sne.s32 s28, $0x4800;
	s28 =	sadd.s32 $0x400, s28;
	_ =	swait.ge [sflag:s20], $0x4000  }
0x36: {  	[sflag:s20] =	ssyncset.done $0x0  }
0x37: {  	s29 =	sshra.s32 s29, $0x2;
	[sflag:s20] =	ssyncadd.s32 $0xFFFFC000  }
0x38: {  	[spmem:s2] =	stream.indirect.scatter.add.f32 [tilespmem:s17], [sflag:$0x3], $0x80, s29, s16, $0xb8;
	[tilespmem:$0x1E400] =	vst v63  }
0x39: {  	_ =	swait.ge [sflag:s21], $0x4000  }
0x3a: {  	[sflag:s21] =	ssyncset.done $0x0  }
0x3b: {  	s30 =	sadd.s32 $0x80, s29;
	[sflag:s21] =	ssyncadd.s32 $0xFFFFC000  }
0x3c: {  	[spmem:s2] =	stream.indirect.scatter.add.f32 [tilespmem:s19], [sflag:$0x4], $0x80, s30, s16, $0xb8;
	[tilespmem:$0x1E400] =	vst v63  }
0x3d: {  	_ =	swait.ge [sflag:s22], $0x4000  }
0x3e: {  	[sflag:s22] =	ssyncset.done $0x0  }
.Ltmp0:
0x3f: {  	s30 =	sadd.s32 $0x1500, s29;
	[sflag:s22] =	ssyncadd.s32 $0xFFFFC000;
	(pc) =	sbr.rel @p0 .LBB2_2-.Ltmp0, $4  }
0x40: {  	[tilespmem:s17], [sflag:$0x1] =	stream.indirect.gather [hbm4b:s4+s16], $0x80, s30, s16, $0xb8;
	[tilespmem:$0x1E400] =	vst v63  }
0x41: {  	_ =	swait.ge [sflag:s23], $0x4000  }
0x42: {  	[sflag:s23] =	ssyncset.done $0x0  }
0x43: {  	s29 =	sadd.s32 $0x1580, s29;
	[sflag:s23] =	ssyncadd.s32 $0xFFFFC000  }
0x44: {  	[tilespmem:s19], [sflag:$0x2] =	stream.indirect.gather [hbm4b:s4+s16], $0x80, s29, s16, $0xb8;
	[tilespmem:$0x1E400] =	vst v63  }
0x45: {  	_ =	swait.ge [sflag:s20], $0x4000  }
0x46: {  	[sflag:s20] =	ssyncset.done $0x0  }
0x47: {  	[sflag:s20] =	ssyncadd.s32 $0xFFFFC000  }
0x48: {  	[spmem:s2] =	stream.indirect.scatter.add.f32 [tilespmem:s17], [sflag:$0x3], $0x80, s24, s16, $0xb8;
	[tilespmem:$0x1E400] =	vst v63  }
0x49: {  	_ =	swait.ge [sflag:s21], $0x4000  }
0x4a: {  	[sflag:s21] =	ssyncset.done $0x0  }
0x4b: {  	[sflag:s21] =	ssyncadd.s32 $0xFFFFC000  }
0x4c: {  	[spmem:s2] =	stream.indirect.scatter.add.f32 [tilespmem:s19], [sflag:$0x4], $0x80, s25, s16, $0xb8;
	[tilespmem:$0x1E400] =	vst v63  }
0x4d: {  	_ =	swait.ge [sflag:s22], $0x4000  }
0x4e: {  	[sflag:s22] =	ssyncset.done $0x0  }
0x4f: {  	[sflag:s22] =	ssyncadd.s32 $0xFFFFC000  }
0x50: {  	_ =	swait.ge [sflag:s23], $0x4000  }
0x51: {  	[sflag:s23] =	ssyncset.done $0x0  }
0x52: {  	s28 =	simm.s32 $0x0;
	[sflag:s23] =	ssyncadd.s32 $0xFFFFC000  }
0x53: {  	[tilespmem:s28], [sflag:$0x5] =	stream.linear.gather [hbm4b:s9+s28], $0x1400, $0x38;
	[tilespmem:$0x1E400] =	vst v63  }
0x54: {  	_ =	swait.ge [sflag:s14], $0x1400  }
0x55: {  	[sflag:s14] =	ssyncset.done $0x0  }
0x56: {  	[sflag:s14] =	ssyncadd.s32 $0xFFFFEC00  }
0x57: {  	[tilespmem:s15], [sflag:$0x5] =	stream.linear.gather [hbm4b:s10+s28], $0x1400, $0x38;
	[tilespmem:$0x1E400] =	vst v63  }
0x58: {  	_ =	swait.ge [sflag:s14], $0x1400  }
0x59: {  	[sflag:s14] =	ssyncset.done $0x0  }
0x5a: {  	[sflag:s14] =	ssyncadd.s32 $0xFFFFEC00  }
0x5b: {  	[tilespmem:s17], [sflag:$0x1] =	stream.indirect.gather [hbm4b:s4+s16], $0x80, s15, s16, $0xb8;
	[tilespmem:$0x1E400] =	vst v63  }
0x5c: {  	_ = 	snop  }
0x5d: {  	[tilespmem:s19], [sflag:$0x2] =	stream.indirect.gather [hbm4b:s4+s16], $0x80, s18, s16, $0xb8;
	[tilespmem:$0x1E400] =	vst v63  }
0x5e: {  	_ =	swait.ge [sflag:s20], $0x4000  }
0x5f: {  	[sflag:s20] =	ssyncset.done $0x0  }
0x60: {  	s28 =	simm.s32 $0x0;
	[sflag:s20] =	ssyncadd.s32 $0xFFFFC000  }
0x61: {  	[spmem:s2] =	stream.indirect.scatter.add.f32 [tilespmem:s17], [sflag:$0x3], $0x80, s28, s16, $0xb8;
	[tilespmem:$0x1E400] =	vst v63  }
0x62: {  	_ =	swait.ge [sflag:s21], $0x4000  }
0x63: {  	[sflag:s21] =	ssyncset.done $0x0  }
0x64: {  	s28 =	simm.s32 $0x80;
	[sflag:s21] =	ssyncadd.s32 $0xFFFFC000  }
0x65: {  	[spmem:s2] =	stream.indirect.scatter.add.f32 [tilespmem:s19], [sflag:$0x4], $0x80, s28, s16, $0xb8;
	[tilespmem:$0x1E400] =	vst v63  }
0x66: {  	_ =	swait.ge [sflag:s22], $0x4000  }
0x67: {  	[sflag:s22] =	ssyncset.done $0x0  }
0x68: {  	s28 =	simm.s32 $0x1500;
	[sflag:s22] =	ssyncadd.s32 $0xFFFFC000  }
0x69: {  	[tilespmem:s17], [sflag:$0x1] =	stream.indirect.gather [hbm4b:s4+s16], $0x80, s28, s16, $0xb8;
	[tilespmem:$0x1E400] =	vst v63  }
0x6a: {  	_ =	swait.ge [sflag:s23], $0x4000  }
0x6b: {  	[sflag:s23] =	ssyncset.done $0x0  }
0x6c: {  	s29 =	simm.s32 $0x1580;
	s28 =	simm.s32 $0x400;
	[sflag:s23] =	ssyncadd.s32 $0xFFFFC000  }
.LBB2_4:
0x6d: {  	[tilespmem:s19], [sflag:$0x2] =	stream.indirect.gather [hbm4b:s4+s16], $0x80, s29, s16, $0xb8;
	[tilespmem:$0x1E400] =	vst v63  }
0x6e: {  	s29 =	smov.u32 s28  }
0x6f: {  	p0 =	sne.s32 s28, $0x4800;
	s28 =	sadd.s32 $0x400, s28;
	_ =	swait.ge [sflag:s20], $0x4000  }
0x70: {  	[sflag:s20] =	ssyncset.done $0x0  }
0x71: {  	s29 =	sshra.s32 s29, $0x2;
	[sflag:s20] =	ssyncadd.s32 $0xFFFFC000  }
0x72: {  	[spmem:s2] =	stream.indirect.scatter.add.f32 [tilespmem:s17], [sflag:$0x3], $0x80, s29, s16, $0xb8;
	[tilespmem:$0x1E400] =	vst v63  }
0x73: {  	_ =	swait.ge [sflag:s21], $0x4000  }
0x74: {  	[sflag:s21] =	ssyncset.done $0x0  }
0x75: {  	s30 =	sadd.s32 $0x80, s29;
	[sflag:s21] =	ssyncadd.s32 $0xFFFFC000  }
0x76: {  	[spmem:s2] =	stream.indirect.scatter.add.f32 [tilespmem:s19], [sflag:$0x4], $0x80, s30, s16, $0xb8;
	[tilespmem:$0x1E400] =	vst v63  }
0x77: {  	_ =	swait.ge [sflag:s22], $0x4000  }
0x78: {  	[sflag:s22] =	ssyncset.done $0x0  }
.Ltmp1:
0x79: {  	s30 =	sadd.s32 $0x1500, s29;
	[sflag:s22] =	ssyncadd.s32 $0xFFFFC000;
	(pc) =	sbr.rel @p0 .LBB2_4-.Ltmp1, $4  }
0x7a: {  	[tilespmem:s17], [sflag:$0x1] =	stream.indirect.gather [hbm4b:s4+s16], $0x80, s30, s16, $0xb8;
	[tilespmem:$0x1E400] =	vst v63  }
0x7b: {  	_ =	swait.ge [sflag:s23], $0x4000  }
0x7c: {  	[sflag:s23] =	ssyncset.done $0x0  }
0x7d: {  	s29 =	sadd.s32 $0x1580, s29;
	[sflag:s23] =	ssyncadd.s32 $0xFFFFC000  }
0x7e: {  	[tilespmem:s19], [sflag:$0x2] =	stream.indirect.gather [hbm4b:s4+s16], $0x80, s29, s16, $0xb8;
	[tilespmem:$0x1E400] =	vst v63  }
0x7f: {  	_ =	swait.ge [sflag:s20], $0x4000  }
0x80: {  	[sflag:s20] =	ssyncset.done $0x0  }
0x81: {  	[sflag:s20] =	ssyncadd.s32 $0xFFFFC000  }
0x82: {  	[spmem:s2] =	stream.indirect.scatter.add.f32 [tilespmem:s17], [sflag:$0x3], $0x80, s24, s16, $0xb8;
	[tilespmem:$0x1E400] =	vst v63  }
0x83: {  	_ =	swait.ge [sflag:s21], $0x4000  }
0x84: {  	[sflag:s21] =	ssyncset.done $0x0  }
0x85: {  	[sflag:s21] =	ssyncadd.s32 $0xFFFFC000  }
0x86: {  	[spmem:s2] =	stream.indirect.scatter.add.f32 [tilespmem:s19], [sflag:$0x4], $0x80, s25, s16, $0xb8;
	[tilespmem:$0x1E400] =	vst v63  }
0x87: {  	_ =	swait.ge [sflag:s22], $0x4000  }
0x88: {  	[sflag:s22] =	ssyncset.done $0x0  }
0x89: {  	[sflag:s22] =	ssyncadd.s32 $0xFFFFC000  }
0x8a: {  	_ =	swait.ge [sflag:s23], $0x4000  }
0x8b: {  	[sflag:s23] =	ssyncset.done $0x0  }
0x8c: {  	s26 =	sadd.s32 $0x1, s26;
	[sflag:s23] =	ssyncadd.s32 $0xFFFFC000  }
0x8d: {  	p0 =	sne.s32 s26, s12;
	[bflag:$0x0] =	sbarrier.arrive $0xFFFF  }
0x8e: {  	[hbm:s11], [sflag:s6] =	dma.local [spmem:s13], $0x2780  }
.Ltmp2:
0x8f: {  	_ =	swait.ge [sflag:s14], $0x2780;
	(pc) =	sbr.rel @p0 .LBB2_1-.Ltmp2, $3  }
0x90: {  	[sflag:s14] =	ssyncset.done $0x0  }
0x91: {  	[sflag:s14] =	ssyncadd.s32 $0xFFFFD880  }
0x92: {  	[bflag:$0x0] =	sbarrier.arrive $0xFFFF;
	_ =	sdelay $0x1  }
0x93: {  	_ =	sfence.sel $0x180000  }
0x94: {  	[bflag:$0x0] =	sbarrier.arrive $0xFFFF  }
0x95: {  	p0 =	sne.s32 s0, $0x0;
	_ =	strace $0x9000004A  }
0x96: {  	s0 =	sadd.s32 @!p0 $0x100000, s1;
	[bflag:$0x2] =	sbarrier.arrive $0xFFFF  }
0x97: {  	[sflag:s0] =	ssyncadd.tile.s32 @!p0 $0x1;
	_ =	shalt  }
.Lfunc_end2:
_tile_overlayer_lowered:
.L_overlay_start_2:
0x98: {  	(tag) =	ssettag $0x2  }
0x99: {  	s0 =	rddreg [dreg:$0x0];
	s2 =	stileid.u32  }
0x9a: {  	s1 =	rddreg [dreg:$0x1];
	p0 =	sne.s32 s2, $0x0  }
0x9b: {  	s3 =	rddreg [dreg:$0x2];
	[bflag:$0x3] =	sbarrier.arrive $0xFFFF;
	s2 =	simm.s32 @!p0 $0x1C05  }
0x9c: {  	[timem:s3], [sflag:s2] =	dma.local @!p0 [hbm:s0], s1  }
0x9d: {  	s0 =	simm.s32 @!p0 $0x5  }
0x9e: {  	_ =	swait.ge @!p0 [sflag:s0], s1  }
0x9f: {  	s1 =	ssub.s32 @!p0 $0x0, s1;
	[sflag:s0] =	ssyncset.done @!p0 $0x0  }
0xa0: {  	[sflag:s0] =	ssyncadd.s32 @!p0 s1  }
0xa1: {  	[bflag:$0x3] =	sbarrier.arrive $0xFFFF  }
0xa2: {  	_ =	shalt  }

</sc_bundles>
